<compile_context>
chip_gen: v7x
topology: tpu7x:2x2x1
jax: 0.10.2.dev20260603
libtpu: 0.0.44.dev20260713+nightly
codegen_flags: <defaults>
</compile_context>

<pallas_src>
import jax
import jax.numpy as jnp
from jax import lax
from jax.experimental import pallas as pl
from jax.experimental.pallas import tpu as pltpu
from jax.experimental.pallas import tpu_sc as plsc

LANES = 16
NC, NS = 2, 16
NW = NC * NS

B, V, L, D = 8, 8, 4096, 128
SEGS = B * V
SEGS_PER_W = SEGS // NW

L_SC = 1280
TC_B = L - L_SC

CHUNK = 320
NCHUNK = L_SC // CHUNK
ROW_UNROLL = 4
DV = D // LANES

TC_RING = 4


def _sc_body(x_hbm, out_hbm, buf, outv, sem0, sem1):
    wid = lax.axis_index("s") * NC + lax.axis_index("c")
    base_seg = wid * SEGS_PER_W
    sems = (sem0, sem1)

    for s in range(SEGS_PER_W):
        seg = base_seg + s

        def copy(g, k):
            return pltpu.make_async_copy(
                x_hbm.at[seg, pl.ds(g * CHUNK, CHUNK)],
                buf.at[pl.ds(k * CHUNK, CHUNK)],
                sems[k],
            )

        copy(0, 0).start()
        copy(1, 1).start()

        def pair_body(p, acc):
            for k in range(2):
                g = 2 * p + k
                copy(g, k).wait()

                def row_body(i, a, k=k):
                    r = k * CHUNK + i * ROW_UNROLL
                    out = list(a)
                    for u in range(ROW_UNROLL):
                        for j in range(DV):
                            out[j] = out[j] + buf[
                                r + u, pl.ds(j * LANES, LANES)
                            ]
                    return tuple(out)

                acc = lax.fori_loop(0, CHUNK // ROW_UNROLL, row_body, acc)

                @pl.when(g + 2 < NCHUNK)
                def _():
                    copy(g + 2, k).start()

            return acc

        acc = tuple(jnp.zeros((LANES,), jnp.float32) for _ in range(DV))
        acc = lax.fori_loop(0, NCHUNK // 2, pair_body, acc)
        for j in range(DV):
            outv[s, pl.ds(j * LANES, LANES)] = acc[j] * (1.0 / float(D))

    pltpu.sync_copy(outv, out_hbm.at[pl.ds(base_seg, SEGS_PER_W)])


def _tc_body(x_hbm, o_ref, bufs, sems):
    def copy(seg, slot):
        return pltpu.make_async_copy(
            x_hbm.at[seg, pl.ds(L_SC, TC_B)], bufs.at[slot], sems.at[slot]
        )

    for k in range(TC_RING):
        copy(k, k).start()

    def body(p, _):
        for k in range(TC_RING):
            seg = TC_RING * p + k
            copy(seg, k).wait()
            acc = jnp.sum(bufs[k], axis=0, keepdims=True)
            o_ref[pl.ds(seg, 1), :] = acc * (1.0 / float(D))

            @pl.when(seg + TC_RING < SEGS)
            def _():
                copy(seg + TC_RING, k).start()

        return 0

    lax.fori_loop(0, SEGS // TC_RING, body, 0)


@jax.jit
def kernel(X):
    xf = X.reshape(SEGS, L, D)

    sc_part = pl.kernel(
        _sc_body,
        out_type=jax.ShapeDtypeStruct((SEGS, D), jnp.float32),
        mesh=plsc.VectorSubcoreMesh(core_axis_name="c", subcore_axis_name="s"),
        scratch_types=[
            pltpu.VMEM((2 * CHUNK, D), jnp.float32),
            pltpu.VMEM((SEGS_PER_W, D), jnp.float32),
            pltpu.SemaphoreType.DMA,
            pltpu.SemaphoreType.DMA,
        ],
    )(xf)

    tc_part = pl.pallas_call(
        _tc_body,
        in_specs=[pl.BlockSpec(memory_space=pl.ANY)],
        out_specs=pl.BlockSpec(memory_space=pltpu.VMEM),
        out_shape=jax.ShapeDtypeStruct((SEGS, D), jnp.float32),
        scratch_shapes=[
            pltpu.VMEM((TC_RING, TC_B, D), jnp.float32),
            pltpu.SemaphoreType.DMA((TC_RING,)),
        ],
    )(xf)

    ret = sc_part + tc_part
    ret = jnp.where(jnp.isnan(ret), jnp.zeros_like(ret), ret)
    return ret.reshape(B, V, D)

# --- scband reference (transcript-rebuilt; emitter-appended) ---
"""Pipeline reference for scband-mean-aggregator-2740189135076 (READ-ONLY COPY).

The authoritative reference and input builder live on the scoring server;
editing this copy changes nothing except your own understanding.
"""

import jax, jax.numpy as jnp
import numpy as np


def setup_inputs(seed: int = 0) -> dict:
    key = jax.random.key(seed)
    X = jax.random.normal(key, (8, 8, 4096, 128), dtype=jnp.float32)
    return {"X": X}


def reference(X):
    # X: [bsize, vsize, L, d]. Each element el = X[b][v] has shape [L, d].
    # Faithful to the torch module: lens is built from el.shape[1] (== d, the
    # feature dim -- a quirk of the original code), pad_sequence is a no-op for
    # equal-length sequences, then sum over the sequence dim and divide by lens,
    # replacing NaNs with 0.
    bsize, vsize, L, d = X.shape
    lens = jnp.full((bsize, vsize, 1), float(d), dtype=jnp.float32)
    ret = jnp.sum(X, axis=2)  # [bsize, vsize, d]
    ret = ret / lens
    ret = jnp.where(jnp.isnan(ret), jnp.zeros_like(ret), ret)
    return ret

if __name__ == "__main__":
    import jax
    _d = setup_inputs()
    print(jax.jit(kernel)(*tuple(_d.values())))

</pallas_src>

<mosaic_0001>
#map = affine_map<(d0, d1) -> (0, 0, 0)>
#map1 = affine_map<(d0, d1) -> (0, 0)>
module attributes {stable_mosaic.version = 14 : i64} {
  func.func @_sc_body(%arg0: i32, %arg1: i32, %arg2: memref<64x4096x128xf32, #tpu.memory_space<hbm>>, %arg3: memref<64x128xf32, #tpu.memory_space<hbm>>, %arg4: memref<640x128xf32, #tpu.memory_space<vmem>>, %arg5: memref<2x128xf32, #tpu.memory_space<vmem>>, %arg6: memref<!tpu.dma_semaphore, #tpu.memory_space<semaphore_mem>>, %arg7: memref<!tpu.dma_semaphore, #tpu.memory_space<semaphore_mem>>) attributes {dimension_semantics = [#tpu.dimension_semantics<core_parallel>, #tpu.dimension_semantics<subcore_parallel>], iteration_bounds = array<i64: 2, 16>, scalar_prefetch = 0 : i64, scratch_operands = 4 : i64, tpu.core_type = #tpu.core_type<sc_vector_subcore>, window_params = [{transform_indices = #map}, {transform_indices = #map1}]} {
    %mul3A = arith.constant 2 : i32
    %mul3A_0 = arith.muli %arg1, %mul3A : i32
    %add3A = arith.addi %mul3A_0, %arg0 : i32
    %mul3A_1 = arith.constant 2 : i32
    %mul3A_2 = arith.muli %add3A, %mul3A_1 : i32
    %add3A_3 = arith.constant 0 : i32
    %add3A_4 = arith.addi %mul3A_2, %add3A_3 : i32
    %dma_start3A = arith.constant 0 : i32
    %dma_start3A_5 = arith.constant 0 : i32
    %dma_start3A_6 = tpu.memref_slice %arg4[%dma_start3A, %dma_start3A_5] : memref<640x128xf32, #tpu.memory_space<vmem>> -> memref<320x128xf32, #tpu.memory_space<vmem>>
    %dma_start3A_7 = arith.constant 0 : i32
    %dma_start3A_8 = arith.constant 0 : i32
    %dma_start3A_9 = tpu.memref_slice %arg2[%add3A_4, %dma_start3A_7, %dma_start3A_8] : memref<64x4096x128xf32, #tpu.memory_space<hbm>> -> memref<1x320x128xf32, #tpu.memory_space<hbm>>
    %dma_start3A_10 = tpu.memref_squeeze %dma_start3A_9 : memref<1x320x128xf32, #tpu.memory_space<hbm>> -> memref<320x128xf32, #tpu.memory_space<hbm>>
    %dma_start3A_11 = arith.constant 0 : i32
    %dma_start3A_12 = arith.constant 0 : i32
    %dma_start3A_13 = tpu.memref_slice %arg4[%dma_start3A_11, %dma_start3A_12] : memref<640x128xf32, #tpu.memory_space<vmem>> -> memref<320x128xf32, #tpu.memory_space<vmem>>
    %dma_start3A_14 = arith.constant 0 : i32
    %dma_start3A_15 = arith.constant 0 : i32
    %dma_start3A_16 = tpu.memref_slice %arg2[%add3A_4, %dma_start3A_14, %dma_start3A_15] : memref<64x4096x128xf32, #tpu.memory_space<hbm>> -> memref<1x320x128xf32, #tpu.memory_space<hbm>>
    %dma_start3A_17 = tpu.memref_squeeze %dma_start3A_16 : memref<1x320x128xf32, #tpu.memory_space<hbm>> -> memref<320x128xf32, #tpu.memory_space<hbm>>
    tpu.enqueue_dma source(%dma_start3A_17 : memref<320x128xf32, #tpu.memory_space<hbm>>) target(%dma_start3A_13 : memref<320x128xf32, #tpu.memory_space<vmem>>) target_semaphore(%arg6 : memref<!tpu.dma_semaphore, #tpu.memory_space<semaphore_mem>>)
    %dma_start3A_18 = arith.constant 320 : i32
    %dma_start3A_19 = arith.constant 0 : i32
    %dma_start3A_20 = tpu.memref_slice %arg4[%dma_start3A_18, %dma_start3A_19] : memref<640x128xf32, #tpu.memory_space<vmem>> -> memref<320x128xf32, #tpu.memory_space<vmem>>
    %dma_start3A_21 = arith.constant 320 : i32
    %dma_start3A_22 = arith.constant 0 : i32
    %dma_start3A_23 = tpu.memref_slice %arg2[%add3A_4, %dma_start3A_21, %dma_start3A_22] : memref<64x4096x128xf32, #tpu.memory_space<hbm>> -> memref<1x320x128xf32, #tpu.memory_space<hbm>>
    %dma_start3A_24 = tpu.memref_squeeze %dma_start3A_23 : memref<1x320x128xf32, #tpu.memory_space<hbm>> -> memref<320x128xf32, #tpu.memory_space<hbm>>
    %dma_start3A_25 = arith.constant 320 : i32
    %dma_start3A_26 = arith.constant 0 : i32
    %dma_start3A_27 = tpu.memref_slice %arg4[%dma_start3A_25, %dma_start3A_26] : memref<640x128xf32, #tpu.memory_space<vmem>> -> memref<320x128xf32, #tpu.memory_space<vmem>>
    %dma_start3A_28 = arith.constant 320 : i32
    %dma_start3A_29 = arith.constant 0 : i32
    %dma_start3A_30 = tpu.memref_slice %arg2[%add3A_4, %dma_start3A_28, %dma_start3A_29] : memref<64x4096x128xf32, #tpu.memory_space<hbm>> -> memref<1x320x128xf32, #tpu.memory_space<hbm>>
    %dma_start3A_31 = tpu.memref_squeeze %dma_start3A_30 : memref<1x320x128xf32, #tpu.memory_space<hbm>> -> memref<320x128xf32, #tpu.memory_space<hbm>>
    tpu.enqueue_dma source(%dma_start3A_31 : memref<320x128xf32, #tpu.memory_space<hbm>>) target(%dma_start3A_27 : memref<320x128xf32, #tpu.memory_space<vmem>>) target_semaphore(%arg7 : memref<!tpu.dma_semaphore, #tpu.memory_space<semaphore_mem>>)
    %broadcast_in_dim3A = arith.constant 0.000000e+00 : f32
    %broadcast_in_dim3A_32 = vector.broadcast %broadcast_in_dim3A : f32 to vector<16xf32>
    %broadcast_in_dim3A_33 = arith.constant 0.000000e+00 : f32
    %broadcast_in_dim3A_34 = vector.broadcast %broadcast_in_dim3A_33 : f32 to vector<16xf32>
    %broadcast_in_dim3A_35 = arith.constant 0.000000e+00 : f32
    %broadcast_in_dim3A_36 = vector.broadcast %broadcast_in_dim3A_35 : f32 to vector<16xf32>
    %broadcast_in_dim3A_37 = arith.constant 0.000000e+00 : f32
    %broadcast_in_dim3A_38 = vector.broadcast %broadcast_in_dim3A_37 : f32 to vector<16xf32>
    %broadcast_in_dim3A_39 = arith.constant 0.000000e+00 : f32
    %broadcast_in_dim3A_40 = vector.broadcast %broadcast_in_dim3A_39 : f32 to vector<16xf32>
    %broadcast_in_dim3A_41 = arith.constant 0.000000e+00 : f32
    %broadcast_in_dim3A_42 = vector.broadcast %broadcast_in_dim3A_41 : f32 to vector<16xf32>
    %broadcast_in_dim3A_43 = arith.constant 0.000000e+00 : f32
    %broadcast_in_dim3A_44 = vector.broadcast %broadcast_in_dim3A_43 : f32 to vector<16xf32>
    %broadcast_in_dim3A_45 = arith.constant 0.000000e+00 : f32
    %broadcast_in_dim3A_46 = vector.broadcast %broadcast_in_dim3A_45 : f32 to vector<16xf32>
    %scan3A = arith.constant 0 : i32
    %scan3A_47 = arith.constant 2 : i32
    %scan3A_48 = arith.addi %scan3A, %scan3A_47 : i32
    %scan3A_49 = arith.constant 1 : i32
    %scan3A_50:8 = scf.for %scan3A_247 = %scan3A to %scan3A_48 step %scan3A_49 iter_args(%scan3A_248 = %broadcast_in_dim3A_32, %scan3A_249 = %broadcast_in_dim3A_34, %scan3A_250 = %broadcast_in_dim3A_36, %scan3A_251 = %broadcast_in_dim3A_38, %scan3A_252 = %broadcast_in_dim3A_40, %scan3A_253 = %broadcast_in_dim3A_42, %scan3A_254 = %broadcast_in_dim3A_44, %scan3A_255 = %broadcast_in_dim3A_46) -> (vector<16xf32>, vector<16xf32>, vector<16xf32>, vector<16xf32>, vector<16xf32>, vector<16xf32>, vector<16xf32>, vector<16xf32>)  : i32 {
      %mul3A_256 = arith.constant 2 : i32
      %mul3A_257 = arith.muli %mul3A_256, %scan3A_247 : i32
      %add3A_258 = arith.constant 0 : i32
      %add3A_259 = arith.addi %mul3A_257, %add3A_258 : i32
      %mul3A_260 = arith.constant 320 : i32
      %mul3A_261 = arith.muli %add3A_259, %mul3A_260 : i32
      %dma_wait3A = arith.constant 0 : i32
      %dma_wait3A_262 = arith.constant 0 : i32
      %dma_wait3A_263 = tpu.memref_slice %arg4[%dma_wait3A, %dma_wait3A_262] : memref<640x128xf32, #tpu.memory_space<vmem>> -> memref<320x128xf32, #tpu.memory_space<vmem>>
      %dma_wait3A_264 = arith.constant 0 : i32
      %dma_wait3A_265 = tpu.memref_slice %arg2[%add3A_4, %mul3A_261, %dma_wait3A_264] : memref<64x4096x128xf32, #tpu.memory_space<hbm>> -> memref<1x320x128xf32, #tpu.memory_space<hbm>>
      %dma_wait3A_266 = tpu.memref_squeeze %dma_wait3A_265 : memref<1x320x128xf32, #tpu.memory_space<hbm>> -> memref<320x128xf32, #tpu.memory_space<hbm>>
      %dma_wait3A_267 = arith.constant 0 : i32
      %dma_wait3A_268 = arith.constant 0 : i32
      %dma_wait3A_269 = tpu.memref_slice %arg4[%dma_wait3A_267, %dma_wait3A_268] : memref<640x128xf32, #tpu.memory_space<vmem>> -> memref<320x128xf32, #tpu.memory_space<vmem>>
      %dma_wait3A_270 = arith.constant 0 : i32
      %dma_wait3A_271 = tpu.memref_slice %arg2[%add3A_4, %mul3A_261, %dma_wait3A_270] : memref<64x4096x128xf32, #tpu.memory_space<hbm>> -> memref<1x320x128xf32, #tpu.memory_space<hbm>>
      %dma_wait3A_272 = tpu.memref_squeeze %dma_wait3A_271 : memref<1x320x128xf32, #tpu.memory_space<hbm>> -> memref<320x128xf32, #tpu.memory_space<hbm>>
      tpu.wait_dma2 semaphore(%arg6 : memref<!tpu.dma_semaphore, #tpu.memory_space<semaphore_mem>>) src(%dma_wait3A_272 : memref<320x128xf32, #tpu.memory_space<hbm>>) dst(%dma_wait3A_269 : memref<320x128xf32, #tpu.memory_space<vmem>>)
      %scan3A_273 = arith.constant 0 : i32
      %scan3A_274 = arith.constant 80 : i32
      %scan3A_275 = arith.addi %scan3A_273, %scan3A_274 : i32
      %scan3A_276 = arith.constant 1 : i32
      %scan3A_277:8 = scf.for %scan3A_314 = %scan3A_273 to %scan3A_275 step %scan3A_276 iter_args(%scan3A_315 = %scan3A_248, %scan3A_316 = %scan3A_249, %scan3A_317 = %scan3A_250, %scan3A_318 = %scan3A_251, %scan3A_319 = %scan3A_252, %scan3A_320 = %scan3A_253, %scan3A_321 = %scan3A_254, %scan3A_322 = %scan3A_255) -> (vector<16xf32>, vector<16xf32>, vector<16xf32>, vector<16xf32>, vector<16xf32>, vector<16xf32>, vector<16xf32>, vector<16xf32>)  : i32 {
        %mul3A_323 = arith.constant 4 : i32
        %mul3A_324 = arith.muli %scan3A_314, %mul3A_323 : i32
        %add3A_325 = arith.constant 0 : i32
        %add3A_326 = arith.addi %add3A_325, %mul3A_324 : i32
        %add3A_327 = arith.constant 0 : i32
        %add3A_328 = arith.addi %add3A_326, %add3A_327 : i32
        %get3A = arith.index_cast %add3A_328 : i32 to index
        %get3A_329 = arith.constant 0 : index
        %get3A_330 = tpu.vector_load %arg4[%get3A, %get3A_329] {strides = array<i32>} : memref<640x128xf32, #tpu.memory_space<vmem>>, vector<1x16xf32>,
        %get3A_331 = vector.shape_cast %get3A_330 : vector<1x16xf32> to vector<16xf32>
        %add3A_332 = arith.addf %scan3A_315, %get3A_331 : vector<16xf32>
        %add3A_333 = arith.constant 0 : i32
        %add3A_334 = arith.addi %add3A_326, %add3A_333 : i32
        %get3A_335 = arith.index_cast %add3A_334 : i32 to index
        %get3A_336 = arith.constant 16 : index
        %get3A_337 = tpu.vector_load %arg4[%get3A_335, %get3A_336] {strides = array<i32>} : memref<640x128xf32, #tpu.memory_space<vmem>>, vector<1x16xf32>,
        %get3A_338 = vector.shape_cast %get3A_337 : vector<1x16xf32> to vector<16xf32>
        %add3A_339 = arith.addf %scan3A_316, %get3A_338 : vector<16xf32>
        %add3A_340 = arith.constant 0 : i32
        %add3A_341 = arith.addi %add3A_326, %add3A_340 : i32
        %get3A_342 = arith.index_cast %add3A_341 : i32 to index
        %get3A_343 = arith.constant 32 : index
        %get3A_344 = tpu.vector_load %arg4[%get3A_342, %get3A_343] {strides = array<i32>} : memref<640x128xf32, #tpu.memory_space<vmem>>, vector<1x16xf32>,
        %get3A_345 = vector.shape_cast %get3A_344 : vector<1x16xf32> to vector<16xf32>
        %add3A_346 = arith.addf %scan3A_317, %get3A_345 : vector<16xf32>
        %add3A_347 = arith.constant 0 : i32
        %add3A_348 = arith.addi %add3A_326, %add3A_347 : i32
        %get3A_349 = arith.index_cast %add3A_348 : i32 to index
        %get3A_350 = arith.constant 48 : index
        %get3A_351 = tpu.vector_load %arg4[%get3A_349, %get3A_350] {strides = array<i32>} : memref<640x128xf32, #tpu.memory_space<vmem>>, vector<1x16xf32>,
        %get3A_352 = vector.shape_cast %get3A_351 : vector<1x16xf32> to vector<16xf32>
        %add3A_353 = arith.addf %scan3A_318, %get3A_352 : vector<16xf32>
        %add3A_354 = arith.constant 0 : i32
        %add3A_355 = arith.addi %add3A_326, %add3A_354 : i32
        %get3A_356 = arith.index_cast %add3A_355 : i32 to index
        %get3A_357 = arith.constant 64 : index
        %get3A_358 = tpu.vector_load %arg4[%get3A_356, %get3A_357] {strides = array<i32>} : memref<640x128xf32, #tpu.memory_space<vmem>>, vector<1x16xf32>,
        %get3A_359 = vector.shape_cast %get3A_358 : vector<1x16xf32> to vector<16xf32>
        %add3A_360 = arith.addf %scan3A_319, %get3A_359 : vector<16xf32>
        %add3A_361 = arith.constant 0 : i32
        %add3A_362 = arith.addi %add3A_326, %add3A_361 : i32
        %get3A_363 = arith.index_cast %add3A_362 : i32 to index
        %get3A_364 = arith.constant 80 : index
        %get3A_365 = tpu.vector_load %arg4[%get3A_363, %get3A_364] {strides = array<i32>} : memref<640x128xf32, #tpu.memory_space<vmem>>, vector<1x16xf32>,
        %get3A_366 = vector.shape_cast %get3A_365 : vector<1x16xf32> to vector<16xf32>
        %add3A_367 = arith.addf %scan3A_320, %get3A_366 : vector<16xf32>
        %add3A_368 = arith.constant 0 : i32
        %add3A_369 = arith.addi %add3A_326, %add3A_368 : i32
        %get3A_370 = arith.index_cast %add3A_369 : i32 to index
        %get3A_371 = arith.constant 96 : index
        %get3A_372 = tpu.vector_load %arg4[%get3A_370, %get3A_371] {strides = array<i32>} : memref<640x128xf32, #tpu.memory_space<vmem>>, vector<1x16xf32>,
        %get3A_373 = vector.shape_cast %get3A_372 : vector<1x16xf32> to vector<16xf32>
        %add3A_374 = arith.addf %scan3A_321, %get3A_373 : vector<16xf32>
        %add3A_375 = arith.constant 0 : i32
        %add3A_376 = arith.addi %add3A_326, %add3A_375 : i32
        %get3A_377 = arith.index_cast %add3A_376 : i32 to index
        %get3A_378 = arith.constant 112 : index
        %get3A_379 = tpu.vector_load %arg4[%get3A_377, %get3A_378] {strides = array<i32>} : memref<640x128xf32, #tpu.memory_space<vmem>>, vector<1x16xf32>,
        %get3A_380 = vector.shape_cast %get3A_379 : vector<1x16xf32> to vector<16xf32>
        %add3A_381 = arith.addf %scan3A_322, %get3A_380 : vector<16xf32>
        %add3A_382 = arith.constant 1 : i32
        %add3A_383 = arith.addi %add3A_326, %add3A_382 : i32
        %get3A_384 = arith.index_cast %add3A_383 : i32 to index
        %get3A_385 = arith.constant 0 : index
        %get3A_386 = tpu.vector_load %arg4[%get3A_384, %get3A_385] {strides = array<i32>} : memref<640x128xf32, #tpu.memory_space<vmem>>, vector<1x16xf32>,
        %get3A_387 = vector.shape_cast %get3A_386 : vector<1x16xf32> to vector<16xf32>
        %add3A_388 = arith.addf %add3A_332, %get3A_387 : vector<16xf32>
        %add3A_389 = arith.constant 1 : i32
        %add3A_390 = arith.addi %add3A_326, %add3A_389 : i32
        %get3A_391 = arith.index_cast %add3A_390 : i32 to index
        %get3A_392 = arith.constant 16 : index
        %get3A_393 = tpu.vector_load %arg4[%get3A_391, %get3A_392] {strides = array<i32>} : memref<640x128xf32, #tpu.memory_space<vmem>>, vector<1x16xf32>,
        %get3A_394 = vector.shape_cast %get3A_393 : vector<1x16xf32> to vector<16xf32>
        %add3A_395 = arith.addf %add3A_339, %get3A_394 : vector<16xf32>
        %add3A_396 = arith.constant 1 : i32
        %add3A_397 = arith.addi %add3A_326, %add3A_396 : i32
        %get3A_398 = arith.index_cast %add3A_397 : i32 to index
        %get3A_399 = arith.constant 32 : index
        %get3A_400 = tpu.vector_load %arg4[%get3A_398, %get3A_399] {strides = array<i32>} : memref<640x128xf32, #tpu.memory_space<vmem>>, vector<1x16xf32>,
        %get3A_401 = vector.shape_cast %get3A_400 : vector<1x16xf32> to vector<16xf32>
        %add3A_402 = arith.addf %add3A_346, %get3A_401 : vector<16xf32>
        %add3A_403 = arith.constant 1 : i32
        %add3A_404 = arith.addi %add3A_326, %add3A_403 : i32
        %get3A_405 = arith.index_cast %add3A_404 : i32 to index
        %get3A_406 = arith.constant 48 : index
        %get3A_407 = tpu.vector_load %arg4[%get3A_405, %get3A_406] {strides = array<i32>} : memref<640x128xf32, #tpu.memory_space<vmem>>, vector<1x16xf32>,
        %get3A_408 = vector.shape_cast %get3A_407 : vector<1x16xf32> to vector<16xf32>
        %add3A_409 = arith.addf %add3A_353, %get3A_408 : vector<16xf32>
        %add3A_410 = arith.constant 1 : i32
        %add3A_411 = arith.addi %add3A_326, %add3A_410 : i32
        %get3A_412 = arith.index_cast %add3A_411 : i32 to index
        %get3A_413 = arith.constant 64 : index
        %get3A_414 = tpu.vector_load %arg4[%get3A_412, %get3A_413] {strides = array<i32>} : memref<640x128xf32, #tpu.memory_space<vmem>>, vector<1x16xf32>,
        %get3A_415 = vector.shape_cast %get3A_414 : vector<1x16xf32> to vector<16xf32>
        %add3A_416 = arith.addf %add3A_360, %get3A_415 : vector<16xf32>
        %add3A_417 = arith.constant 1 : i32
        %add3A_418 = arith.addi %add3A_326, %add3A_417 : i32
        %get3A_419 = arith.index_cast %add3A_418 : i32 to index
        %get3A_420 = arith.constant 80 : index
        %get3A_421 = tpu.vector_load %arg4[%get3A_419, %get3A_420] {strides = array<i32>} : memref<640x128xf32, #tpu.memory_space<vmem>>, vector<1x16xf32>,
        %get3A_422 = vector.shape_cast %get3A_421 : vector<1x16xf32> to vector<16xf32>
        %add3A_423 = arith.addf %add3A_367, %get3A_422 : vector<16xf32>
        %add3A_424 = arith.constant 1 : i32
        %add3A_425 = arith.addi %add3A_326, %add3A_424 : i32
        %get3A_426 = arith.index_cast %add3A_425 : i32 to index
        %get3A_427 = arith.constant 96 : index
        %get3A_428 = tpu.vector_load %arg4[%get3A_426, %get3A_427] {strides = array<i32>} : memref<640x128xf32, #tpu.memory_space<vmem>>, vector<1x16xf32>,
        %get3A_429 = vector.shape_cast %get3A_428 : vector<1x16xf32> to vector<16xf32>
        %add3A_430 = arith.addf %add3A_374, %get3A_429 : vector<16xf32>
        %add3A_431 = arith.constant 1 : i32
        %add3A_432 = arith.addi %add3A_326, %add3A_431 : i32
        %get3A_433 = arith.index_cast %add3A_432 : i32 to index
        %get3A_434 = arith.constant 112 : index
        %get3A_435 = tpu.vector_load %arg4[%get3A_433, %get3A_434] {strides = array<i32>} : memref<640x128xf32, #tpu.memory_space<vmem>>, vector<1x16xf32>,
        %get3A_436 = vector.shape_cast %get3A_435 : vector<1x16xf32> to vector<16xf32>
        %add3A_437 = arith.addf %add3A_381, %get3A_436 : vector<16xf32>
        %add3A_438 = arith.constant 2 : i32
        %add3A_439 = arith.addi %add3A_326, %add3A_438 : i32
        %get3A_440 = arith.index_cast %add3A_439 : i32 to index
        %get3A_441 = arith.constant 0 : index
        %get3A_442 = tpu.vector_load %arg4[%get3A_440, %get3A_441] {strides = array<i32>} : memref<640x128xf32, #tpu.memory_space<vmem>>, vector<1x16xf32>,
        %get3A_443 = vector.shape_cast %get3A_442 : vector<1x16xf32> to vector<16xf32>
        %add3A_444 = arith.addf %add3A_388, %get3A_443 : vector<16xf32>
        %add3A_445 = arith.constant 2 : i32
        %add3A_446 = arith.addi %add3A_326, %add3A_445 : i32
        %get3A_447 = arith.index_cast %add3A_446 : i32 to index
        %get3A_448 = arith.constant 16 : index
        %get3A_449 = tpu.vector_load %arg4[%get3A_447, %get3A_448] {strides = array<i32>} : memref<640x128xf32, #tpu.memory_space<vmem>>, vector<1x16xf32>,
        %get3A_450 = vector.shape_cast %get3A_449 : vector<1x16xf32> to vector<16xf32>
        %add3A_451 = arith.addf %add3A_395, %get3A_450 : vector<16xf32>
        %add3A_452 = arith.constant 2 : i32
        %add3A_453 = arith.addi %add3A_326, %add3A_452 : i32
        %get3A_454 = arith.index_cast %add3A_453 : i32 to index
        %get3A_455 = arith.constant 32 : index
        %get3A_456 = tpu.vector_load %arg4[%get3A_454, %get3A_455] {strides = array<i32>} : memref<640x128xf32, #tpu.memory_space<vmem>>, vector<1x16xf32>,
        %get3A_457 = vector.shape_cast %get3A_456 : vector<1x16xf32> to vector<16xf32>
        %add3A_458 = arith.addf %add3A_402, %get3A_457 : vector<16xf32>
        %add3A_459 = arith.constant 2 : i32
        %add3A_460 = arith.addi %add3A_326, %add3A_459 : i32
        %get3A_461 = arith.index_cast %add3A_460 : i32 to index
        %get3A_462 = arith.constant 48 : index
        %get3A_463 = tpu.vector_load %arg4[%get3A_461, %get3A_462] {strides = array<i32>} : memref<640x128xf32, #tpu.memory_space<vmem>>, vector<1x16xf32>,
        %get3A_464 = vector.shape_cast %get3A_463 : vector<1x16xf32> to vector<16xf32>
        %add3A_465 = arith.addf %add3A_409, %get3A_464 : vector<16xf32>
        %add3A_466 = arith.constant 2 : i32
        %add3A_467 = arith.addi %add3A_326, %add3A_466 : i32
        %get3A_468 = arith.index_cast %add3A_467 : i32 to index
        %get3A_469 = arith.constant 64 : index
        %get3A_470 = tpu.vector_load %arg4[%get3A_468, %get3A_469] {strides = array<i32>} : memref<640x128xf32, #tpu.memory_space<vmem>>, vector<1x16xf32>,
        %get3A_471 = vector.shape_cast %get3A_470 : vector<1x16xf32> to vector<16xf32>
        %add3A_472 = arith.addf %add3A_416, %get3A_471 : vector<16xf32>
        %add3A_473 = arith.constant 2 : i32
        %add3A_474 = arith.addi %add3A_326, %add3A_473 : i32
        %get3A_475 = arith.index_cast %add3A_474 : i32 to index
        %get3A_476 = arith.constant 80 : index
        %get3A_477 = tpu.vector_load %arg4[%get3A_475, %get3A_476] {strides = array<i32>} : memref<640x128xf32, #tpu.memory_space<vmem>>, vector<1x16xf32>,
        %get3A_478 = vector.shape_cast %get3A_477 : vector<1x16xf32> to vector<16xf32>
        %add3A_479 = arith.addf %add3A_423, %get3A_478 : vector<16xf32>
        %add3A_480 = arith.constant 2 : i32
        %add3A_481 = arith.addi %add3A_326, %add3A_480 : i32
        %get3A_482 = arith.index_cast %add3A_481 : i32 to index
        %get3A_483 = arith.constant 96 : index
        %get3A_484 = tpu.vector_load %arg4[%get3A_482, %get3A_483] {strides = array<i32>} : memref<640x128xf32, #tpu.memory_space<vmem>>, vector<1x16xf32>,
        %get3A_485 = vector.shape_cast %get3A_484 : vector<1x16xf32> to vector<16xf32>
        %add3A_486 = arith.addf %add3A_430, %get3A_485 : vector<16xf32>
        %add3A_487 = arith.constant 2 : i32
        %add3A_488 = arith.addi %add3A_326, %add3A_487 : i32
        %get3A_489 = arith.index_cast %add3A_488 : i32 to index
        %get3A_490 = arith.constant 112 : index
        %get3A_491 = tpu.vector_load %arg4[%get3A_489, %get3A_490] {strides = array<i32>} : memref<640x128xf32, #tpu.memory_space<vmem>>, vector<1x16xf32>,
        %get3A_492 = vector.shape_cast %get3A_491 : vector<1x16xf32> to vector<16xf32>
        %add3A_493 = arith.addf %add3A_437, %get3A_492 : vector<16xf32>
        %add3A_494 = arith.constant 3 : i32
        %add3A_495 = arith.addi %add3A_326, %add3A_494 : i32
        %get3A_496 = arith.index_cast %add3A_495 : i32 to index
        %get3A_497 = arith.constant 0 : index
        %get3A_498 = tpu.vector_load %arg4[%get3A_496, %get3A_497] {strides = array<i32>} : memref<640x128xf32, #tpu.memory_space<vmem>>, vector<1x16xf32>,
        %get3A_499 = vector.shape_cast %get3A_498 : vector<1x16xf32> to vector<16xf32>
        %add3A_500 = arith.addf %add3A_444, %get3A_499 : vector<16xf32>
        %add3A_501 = arith.constant 3 : i32
        %add3A_502 = arith.addi %add3A_326, %add3A_501 : i32
        %get3A_503 = arith.index_cast %add3A_502 : i32 to index
        %get3A_504 = arith.constant 16 : index
        %get3A_505 = tpu.vector_load %arg4[%get3A_503, %get3A_504] {strides = array<i32>} : memref<640x128xf32, #tpu.memory_space<vmem>>, vector<1x16xf32>,
        %get3A_506 = vector.shape_cast %get3A_505 : vector<1x16xf32> to vector<16xf32>
        %add3A_507 = arith.addf %add3A_451, %get3A_506 : vector<16xf32>
        %add3A_508 = arith.constant 3 : i32
        %add3A_509 = arith.addi %add3A_326, %add3A_508 : i32
        %get3A_510 = arith.index_cast %add3A_509 : i32 to index
        %get3A_511 = arith.constant 32 : index
        %get3A_512 = tpu.vector_load %arg4[%get3A_510, %get3A_511] {strides = array<i32>} : memref<640x128xf32, #tpu.memory_space<vmem>>, vector<1x16xf32>,
        %get3A_513 = vector.shape_cast %get3A_512 : vector<1x16xf32> to vector<16xf32>
        %add3A_514 = arith.addf %add3A_458, %get3A_513 : vector<16xf32>
        %add3A_515 = arith.constant 3 : i32
        %add3A_516 = arith.addi %add3A_326, %add3A_515 : i32
        %get3A_517 = arith.index_cast %add3A_516 : i32 to index
        %get3A_518 = arith.constant 48 : index
        %get3A_519 = tpu.vector_load %arg4[%get3A_517, %get3A_518] {strides = array<i32>} : memref<640x128xf32, #tpu.memory_space<vmem>>, vector<1x16xf32>,
        %get3A_520 = vector.shape_cast %get3A_519 : vector<1x16xf32> to vector<16xf32>
        %add3A_521 = arith.addf %add3A_465, %get3A_520 : vector<16xf32>
        %add3A_522 = arith.constant 3 : i32
        %add3A_523 = arith.addi %add3A_326, %add3A_522 : i32
        %get3A_524 = arith.index_cast %add3A_523 : i32 to index
        %get3A_525 = arith.constant 64 : index
        %get3A_526 = tpu.vector_load %arg4[%get3A_524, %get3A_525] {strides = array<i32>} : memref<640x128xf32, #tpu.memory_space<vmem>>, vector<1x16xf32>,
        %get3A_527 = vector.shape_cast %get3A_526 : vector<1x16xf32> to vector<16xf32>
        %add3A_528 = arith.addf %add3A_472, %get3A_527 : vector<16xf32>
        %add3A_529 = arith.constant 3 : i32
        %add3A_530 = arith.addi %add3A_326, %add3A_529 : i32
        %get3A_531 = arith.index_cast %add3A_530 : i32 to index
        %get3A_532 = arith.constant 80 : index
        %get3A_533 = tpu.vector_load %arg4[%get3A_531, %get3A_532] {strides = array<i32>} : memref<640x128xf32, #tpu.memory_space<vmem>>, vector<1x16xf32>,
        %get3A_534 = vector.shape_cast %get3A_533 : vector<1x16xf32> to vector<16xf32>
        %add3A_535 = arith.addf %add3A_479, %get3A_534 : vector<16xf32>
        %add3A_536 = arith.constant 3 : i32
        %add3A_537 = arith.addi %add3A_326, %add3A_536 : i32
        %get3A_538 = arith.index_cast %add3A_537 : i32 to index
        %get3A_539 = arith.constant 96 : index
        %get3A_540 = tpu.vector_load %arg4[%get3A_538, %get3A_539] {strides = array<i32>} : memref<640x128xf32, #tpu.memory_space<vmem>>, vector<1x16xf32>,
        %get3A_541 = vector.shape_cast %get3A_540 : vector<1x16xf32> to vector<16xf32>
        %add3A_542 = arith.addf %add3A_486, %get3A_541 : vector<16xf32>
        %add3A_543 = arith.constant 3 : i32
        %add3A_544 = arith.addi %add3A_326, %add3A_543 : i32
        %get3A_545 = arith.index_cast %add3A_544 : i32 to index
        %get3A_546 = arith.constant 112 : index
        %get3A_547 = tpu.vector_load %arg4[%get3A_545, %get3A_546] {strides = array<i32>} : memref<640x128xf32, #tpu.memory_space<vmem>>, vector<1x16xf32>,
        %get3A_548 = vector.shape_cast %get3A_547 : vector<1x16xf32> to vector<16xf32>
        %add3A_549 = arith.addf %add3A_493, %get3A_548 : vector<16xf32>
        scf.yield %add3A_500, %add3A_507, %add3A_514, %add3A_521, %add3A_528, %add3A_535, %add3A_542, %add3A_549 : vector<16xf32>, vector<16xf32>, vector<16xf32>, vector<16xf32>, vector<16xf32>, vector<16xf32>, vector<16xf32>, vector<16xf32>
      }
      %scan3A_278 = arith.constant 80 : i32
      %add3A_279 = arith.constant 2 : i32
      %add3A_280 = arith.addi %add3A_259, %add3A_279 : i32
      %lt3A = arith.constant 4 : i32
      %lt3A_281 = arith.cmpi slt, %add3A_280, %lt3A : i32
      %convert_element_type3A = arith.extui %lt3A_281 : i1 to i32
      %cond3A = arith.constant 0 : i32
      %cond3A_282 = arith.cmpi ne, %convert_element_type3A, %cond3A : i32
      scf.if %cond3A_282 {
        %add3A_314 = arith.constant 2 : i32
        %add3A_315 = arith.addi %add3A_259, %add3A_314 : i32
        %mul3A_316 = arith.constant 320 : i32
        %mul3A_317 = arith.muli %add3A_315, %mul3A_316 : i32
        %dma_start3A_318 = arith.constant 0 : i32
        %dma_start3A_319 = arith.constant 0 : i32
        %dma_start3A_320 = tpu.memref_slice %arg4[%dma_start3A_318, %dma_start3A_319] : memref<640x128xf32, #tpu.memory_space<vmem>> -> memref<320x128xf32, #tpu.memory_space<vmem>>
        %dma_start3A_321 = arith.constant 0 : i32
        %dma_start3A_322 = tpu.memref_slice %arg2[%add3A_4, %mul3A_317, %dma_start3A_321] : memref<64x4096x128xf32, #tpu.memory_space<hbm>> -> memref<1x320x128xf32, #tpu.memory_space<hbm>>
        %dma_start3A_323 = tpu.memref_squeeze %dma_start3A_322 : memref<1x320x128xf32, #tpu.memory_space<hbm>> -> memref<320x128xf32, #tpu.memory_space<hbm>>
        %dma_start3A_324 = arith.constant 0 : i32
        %dma_start3A_325 = arith.constant 0 : i32
        %dma_start3A_326 = tpu.memref_slice %arg4[%dma_start3A_324, %dma_start3A_325] : memref<640x128xf32, #tpu.memory_space<vmem>> -> memref<320x128xf32, #tpu.memory_space<vmem>>
        %dma_start3A_327 = arith.constant 0 : i32
        %dma_start3A_328 = tpu.memref_slice %arg2[%add3A_4, %mul3A_317, %dma_start3A_327] : memref<64x4096x128xf32, #tpu.memory_space<hbm>> -> memref<1x320x128xf32, #tpu.memory_space<hbm>>
        %dma_start3A_329 = tpu.memref_squeeze %dma_start3A_328 : memref<1x320x128xf32, #tpu.memory_space<hbm>> -> memref<320x128xf32, #tpu.memory_space<hbm>>
        tpu.enqueue_dma source(%dma_start3A_329 : memref<320x128xf32, #tpu.memory_space<hbm>>) target(%dma_start3A_326 : memref<320x128xf32, #tpu.memory_space<vmem>>) target_semaphore(%arg6 : memref<!tpu.dma_semaphore, #tpu.memory_space<semaphore_mem>>)
      } else {
      }
      %mul3A_283 = arith.constant 2 : i32
      %mul3A_284 = arith.muli %mul3A_283, %scan3A_247 : i32
      %add3A_285 = arith.constant 1 : i32
      %add3A_286 = arith.addi %mul3A_284, %add3A_285 : i32
      %mul3A_287 = arith.constant 320 : i32
      %mul3A_288 = arith.muli %add3A_286, %mul3A_287 : i32
      %dma_wait3A_289 = arith.constant 320 : i32
      %dma_wait3A_290 = arith.constant 0 : i32
      %dma_wait3A_291 = tpu.memref_slice %arg4[%dma_wait3A_289, %dma_wait3A_290] : memref<640x128xf32, #tpu.memory_space<vmem>> -> memref<320x128xf32, #tpu.memory_space<vmem>>
      %dma_wait3A_292 = arith.constant 0 : i32
      %dma_wait3A_293 = tpu.memref_slice %arg2[%add3A_4, %mul3A_288, %dma_wait3A_292] : memref<64x4096x128xf32, #tpu.memory_space<hbm>> -> memref<1x320x128xf32, #tpu.memory_space<hbm>>
      %dma_wait3A_294 = tpu.memref_squeeze %dma_wait3A_293 : memref<1x320x128xf32, #tpu.memory_space<hbm>> -> memref<320x128xf32, #tpu.memory_space<hbm>>
      %dma_wait3A_295 = arith.constant 320 : i32
      %dma_wait3A_296 = arith.constant 0 : i32
      %dma_wait3A_297 = tpu.memref_slice %arg4[%dma_wait3A_295, %dma_wait3A_296] : memref<640x128xf32, #tpu.memory_space<vmem>> -> memref<320x128xf32, #tpu.memory_space<vmem>>
      %dma_wait3A_298 = arith.constant 0 : i32
      %dma_wait3A_299 = tpu.memref_slice %arg2[%add3A_4, %mul3A_288, %dma_wait3A_298] : memref<64x4096x128xf32, #tpu.memory_space<hbm>> -> memref<1x320x128xf32, #tpu.memory_space<hbm>>
      %dma_wait3A_300 = tpu.memref_squeeze %dma_wait3A_299 : memref<1x320x128xf32, #tpu.memory_space<hbm>> -> memref<320x128xf32, #tpu.memory_space<hbm>>
      tpu.wait_dma2 semaphore(%arg7 : memref<!tpu.dma_semaphore, #tpu.memory_space<semaphore_mem>>) src(%dma_wait3A_300 : memref<320x128xf32, #tpu.memory_space<hbm>>) dst(%dma_wait3A_297 : memref<320x128xf32, #tpu.memory_space<vmem>>)
      %scan3A_301 = arith.constant 0 : i32
      %scan3A_302 = arith.constant 80 : i32
      %scan3A_303 = arith.addi %scan3A_301, %scan3A_302 : i32
      %scan3A_304 = arith.constant 1 : i32
      %scan3A_305:8 = scf.for %scan3A_314 = %scan3A_301 to %scan3A_303 step %scan3A_304 iter_args(%scan3A_315 = %scan3A_277#0, %scan3A_316 = %scan3A_277#1, %scan3A_317 = %scan3A_277#2, %scan3A_318 = %scan3A_277#3, %scan3A_319 = %scan3A_277#4, %scan3A_320 = %scan3A_277#5, %scan3A_321 = %scan3A_277#6, %scan3A_322 = %scan3A_277#7) -> (vector<16xf32>, vector<16xf32>, vector<16xf32>, vector<16xf32>, vector<16xf32>, vector<16xf32>, vector<16xf32>, vector<16xf32>)  : i32 {
        %mul3A_323 = arith.constant 4 : i32
        %mul3A_324 = arith.muli %scan3A_314, %mul3A_323 : i32
        %add3A_325 = arith.constant 320 : i32
        %add3A_326 = arith.addi %add3A_325, %mul3A_324 : i32
        %add3A_327 = arith.constant 0 : i32
        %add3A_328 = arith.addi %add3A_326, %add3A_327 : i32
        %get3A = arith.index_cast %add3A_328 : i32 to index
        %get3A_329 = arith.constant 0 : index
        %get3A_330 = tpu.vector_load %arg4[%get3A, %get3A_329] {strides = array<i32>} : memref<640x128xf32, #tpu.memory_space<vmem>>, vector<1x16xf32>,
        %get3A_331 = vector.shape_cast %get3A_330 : vector<1x16xf32> to vector<16xf32>
        %add3A_332 = arith.addf %scan3A_315, %get3A_331 : vector<16xf32>
        %add3A_333 = arith.constant 0 : i32
        %add3A_334 = arith.addi %add3A_326, %add3A_333 : i32
        %get3A_335 = arith.index_cast %add3A_334 : i32 to index
        %get3A_336 = arith.constant 16 : index
        %get3A_337 = tpu.vector_load %arg4[%get3A_335, %get3A_336] {strides = array<i32>} : memref<640x128xf32, #tpu.memory_space<vmem>>, vector<1x16xf32>,
        %get3A_338 = vector.shape_cast %get3A_337 : vector<1x16xf32> to vector<16xf32>
        %add3A_339 = arith.addf %scan3A_316, %get3A_338 : vector<16xf32>
        %add3A_340 = arith.constant 0 : i32
        %add3A_341 = arith.addi %add3A_326, %add3A_340 : i32
        %get3A_342 = arith.index_cast %add3A_341 : i32 to index
        %get3A_343 = arith.constant 32 : index
        %get3A_344 = tpu.vector_load %arg4[%get3A_342, %get3A_343] {strides = array<i32>} : memref<640x128xf32, #tpu.memory_space<vmem>>, vector<1x16xf32>,
        %get3A_345 = vector.shape_cast %get3A_344 : vector<1x16xf32> to vector<16xf32>
        %add3A_346 = arith.addf %scan3A_317, %get3A_345 : vector<16xf32>
        %add3A_347 = arith.constant 0 : i32
        %add3A_348 = arith.addi %add3A_326, %add3A_347 : i32
        %get3A_349 = arith.index_cast %add3A_348 : i32 to index
        %get3A_350 = arith.constant 48 : index
        %get3A_351 = tpu.vector_load %arg4[%get3A_349, %get3A_350] {strides = array<i32>} : memref<640x128xf32, #tpu.memory_space<vmem>>, vector<1x16xf32>,
        %get3A_352 = vector.shape_cast %get3A_351 : vector<1x16xf32> to vector<16xf32>
        %add3A_353 = arith.addf %scan3A_318, %get3A_352 : vector<16xf32>
        %add3A_354 = arith.constant 0 : i32
        %add3A_355 = arith.addi %add3A_326, %add3A_354 : i32
        %get3A_356 = arith.index_cast %add3A_355 : i32 to index
        %get3A_357 = arith.constant 64 : index
        %get3A_358 = tpu.vector_load %arg4[%get3A_356, %get3A_357] {strides = array<i32>} : memref<640x128xf32, #tpu.memory_space<vmem>>, vector<1x16xf32>,
        %get3A_359 = vector.shape_cast %get3A_358 : vector<1x16xf32> to vector<16xf32>
        %add3A_360 = arith.addf %scan3A_319, %get3A_359 : vector<16xf32>
        %add3A_361 = arith.constant 0 : i32
        %add3A_362 = arith.addi %add3A_326, %add3A_361 : i32
        %get3A_363 = arith.index_cast %add3A_362 : i32 to index
        %get3A_364 = arith.constant 80 : index
        %get3A_365 = tpu.vector_load %arg4[%get3A_363, %get3A_364] {strides = array<i32>} : memref<640x128xf32, #tpu.memory_space<vmem>>, vector<1x16xf32>,
        %get3A_366 = vector.shape_cast %get3A_365 : vector<1x16xf32> to vector<16xf32>
        %add3A_367 = arith.addf %scan3A_320, %get3A_366 : vector<16xf32>
        %add3A_368 = arith.constant 0 : i32
        %add3A_369 = arith.addi %add3A_326, %add3A_368 : i32
        %get3A_370 = arith.index_cast %add3A_369 : i32 to index
        %get3A_371 = arith.constant 96 : index
        %get3A_372 = tpu.vector_load %arg4[%get3A_370, %get3A_371] {strides = array<i32>} : memref<640x128xf32, #tpu.memory_space<vmem>>, vector<1x16xf32>,
        %get3A_373 = vector.shape_cast %get3A_372 : vector<1x16xf32> to vector<16xf32>
        %add3A_374 = arith.addf %scan3A_321, %get3A_373 : vector<16xf32>
        %add3A_375 = arith.constant 0 : i32
        %add3A_376 = arith.addi %add3A_326, %add3A_375 : i32
        %get3A_377 = arith.index_cast %add3A_376 : i32 to index
        %get3A_378 = arith.constant 112 : index
        %get3A_379 = tpu.vector_load %arg4[%get3A_377, %get3A_378] {strides = array<i32>} : memref<640x128xf32, #tpu.memory_space<vmem>>, vector<1x16xf32>,
        %get3A_380 = vector.shape_cast %get3A_379 : vector<1x16xf32> to vector<16xf32>
        %add3A_381 = arith.addf %scan3A_322, %get3A_380 : vector<16xf32>
        %add3A_382 = arith.constant 1 : i32
        %add3A_383 = arith.addi %add3A_326, %add3A_382 : i32
        %get3A_384 = arith.index_cast %add3A_383 : i32 to index
        %get3A_385 = arith.constant 0 : index
        %get3A_386 = tpu.vector_load %arg4[%get3A_384, %get3A_385] {strides = array<i32>} : memref<640x128xf32, #tpu.memory_space<vmem>>, vector<1x16xf32>,
        %get3A_387 = vector.shape_cast %get3A_386 : vector<1x16xf32> to vector<16xf32>
        %add3A_388 = arith.addf %add3A_332, %get3A_387 : vector<16xf32>
        %add3A_389 = arith.constant 1 : i32
        %add3A_390 = arith.addi %add3A_326, %add3A_389 : i32
        %get3A_391 = arith.index_cast %add3A_390 : i32 to index
        %get3A_392 = arith.constant 16 : index
        %get3A_393 = tpu.vector_load %arg4[%get3A_391, %get3A_392] {strides = array<i32>} : memref<640x128xf32, #tpu.memory_space<vmem>>, vector<1x16xf32>,
        %get3A_394 = vector.shape_cast %get3A_393 : vector<1x16xf32> to vector<16xf32>
        %add3A_395 = arith.addf %add3A_339, %get3A_394 : vector<16xf32>
        %add3A_396 = arith.constant 1 : i32
        %add3A_397 = arith.addi %add3A_326, %add3A_396 : i32
        %get3A_398 = arith.index_cast %add3A_397 : i32 to index
        %get3A_399 = arith.constant 32 : index
        %get3A_400 = tpu.vector_load %arg4[%get3A_398, %get3A_399] {strides = array<i32>} : memref<640x128xf32, #tpu.memory_space<vmem>>, vector<1x16xf32>,
        %get3A_401 = vector.shape_cast %get3A_400 : vector<1x16xf32> to vector<16xf32>
        %add3A_402 = arith.addf %add3A_346, %get3A_401 : vector<16xf32>
        %add3A_403 = arith.constant 1 : i32
        %add3A_404 = arith.addi %add3A_326, %add3A_403 : i32
        %get3A_405 = arith.index_cast %add3A_404 : i32 to index
        %get3A_406 = arith.constant 48 : index
        %get3A_407 = tpu.vector_load %arg4[%get3A_405, %get3A_406] {strides = array<i32>} : memref<640x128xf32, #tpu.memory_space<vmem>>, vector<1x16xf32>,
        %get3A_408 = vector.shape_cast %get3A_407 : vector<1x16xf32> to vector<16xf32>
        %add3A_409 = arith.addf %add3A_353, %get3A_408 : vector<16xf32>
        %add3A_410 = arith.constant 1 : i32
        %add3A_411 = arith.addi %add3A_326, %add3A_410 : i32
        %get3A_412 = arith.index_cast %add3A_411 : i32 to index
        %get3A_413 = arith.constant 64 : index
        %get3A_414 = tpu.vector_load %arg4[%get3A_412, %get3A_413] {strides = array<i32>} : memref<640x128xf32, #tpu.memory_space<vmem>>, vector<1x16xf32>,
        %get3A_415 = vector.shape_cast %get3A_414 : vector<1x16xf32> to vector<16xf32>
        %add3A_416 = arith.addf %add3A_360, %get3A_415 : vector<16xf32>
        %add3A_417 = arith.constant 1 : i32
        %add3A_418 = arith.addi %add3A_326, %add3A_417 : i32
        %get3A_419 = arith.index_cast %add3A_418 : i32 to index
        %get3A_420 = arith.constant 80 : index
        %get3A_421 = tpu.vector_load %arg4[%get3A_419, %get3A_420] {strides = array<i32>} : memref<640x128xf32, #tpu.memory_space<vmem>>, vector<1x16xf32>,
        %get3A_422 = vector.shape_cast %get3A_421 : vector<1x16xf32> to vector<16xf32>
        %add3A_423 = arith.addf %add3A_367, %get3A_422 : vector<16xf32>
        %add3A_424 = arith.constant 1 : i32
        %add3A_425 = arith.addi %add3A_326, %add3A_424 : i32
        %get3A_426 = arith.index_cast %add3A_425 : i32 to index
        %get3A_427 = arith.constant 96 : index
        %get3A_428 = tpu.vector_load %arg4[%get3A_426, %get3A_427] {strides = array<i32>} : memref<640x128xf32, #tpu.memory_space<vmem>>, vector<1x16xf32>,
        %get3A_429 = vector.shape_cast %get3A_428 : vector<1x16xf32> to vector<16xf32>
        %add3A_430 = arith.addf %add3A_374, %get3A_429 : vector<16xf32>
        %add3A_431 = arith.constant 1 : i32
        %add3A_432 = arith.addi %add3A_326, %add3A_431 : i32
        %get3A_433 = arith.index_cast %add3A_432 : i32 to index
        %get3A_434 = arith.constant 112 : index
        %get3A_435 = tpu.vector_load %arg4[%get3A_433, %get3A_434] {strides = array<i32>} : memref<640x128xf32, #tpu.memory_space<vmem>>, vector<1x16xf32>,
        %get3A_436 = vector.shape_cast %get3A_435 : vector<1x16xf32> to vector<16xf32>
        %add3A_437 = arith.addf %add3A_381, %get3A_436 : vector<16xf32>
        %add3A_438 = arith.constant 2 : i32
        %add3A_439 = arith.addi %add3A_326, %add3A_438 : i32
        %get3A_440 = arith.index_cast %add3A_439 : i32 to index
        %get3A_441 = arith.constant 0 : index
        %get3A_442 = tpu.vector_load %arg4[%get3A_440, %get3A_441] {strides = array<i32>} : memref<640x128xf32, #tpu.memory_space<vmem>>, vector<1x16xf32>,
        %get3A_443 = vector.shape_cast %get3A_442 : vector<1x16xf32> to vector<16xf32>
        %add3A_444 = arith.addf %add3A_388, %get3A_443 : vector<16xf32>
        %add3A_445 = arith.constant 2 : i32
        %add3A_446 = arith.addi %add3A_326, %add3A_445 : i32
        %get3A_447 = arith.index_cast %add3A_446 : i32 to index
        %get3A_448 = arith.constant 16 : index
        %get3A_449 = tpu.vector_load %arg4[%get3A_447, %get3A_448] {strides = array<i32>} : memref<640x128xf32, #tpu.memory_space<vmem>>, vector<1x16xf32>,
        %get3A_450 = vector.shape_cast %get3A_449 : vector<1x16xf32> to vector<16xf32>
        %add3A_451 = arith.addf %add3A_395, %get3A_450 : vector<16xf32>
        %add3A_452 = arith.constant 2 : i32
        %add3A_453 = arith.addi %add3A_326, %add3A_452 : i32
        %get3A_454 = arith.index_cast %add3A_453 : i32 to index
        %get3A_455 = arith.constant 32 : index
        %get3A_456 = tpu.vector_load %arg4[%get3A_454, %get3A_455] {strides = array<i32>} : memref<640x128xf32, #tpu.memory_space<vmem>>, vector<1x16xf32>,
        %get3A_457 = vector.shape_cast %get3A_456 : vector<1x16xf32> to vector<16xf32>
        %add3A_458 = arith.addf %add3A_402, %get3A_457 : vector<16xf32>
        %add3A_459 = arith.constant 2 : i32
        %add3A_460 = arith.addi %add3A_326, %add3A_459 : i32
        %get3A_461 = arith.index_cast %add3A_460 : i32 to index
        %get3A_462 = arith.constant 48 : index
        %get3A_463 = tpu.vector_load %arg4[%get3A_461, %get3A_462] {strides = array<i32>} : memref<640x128xf32, #tpu.memory_space<vmem>>, vector<1x16xf32>,
        %get3A_464 = vector.shape_cast %get3A_463 : vector<1x16xf32> to vector<16xf32>
        %add3A_465 = arith.addf %add3A_409, %get3A_464 : vector<16xf32>
        %add3A_466 = arith.constant 2 : i32
        %add3A_467 = arith.addi %add3A_326, %add3A_466 : i32
        %get3A_468 = arith.index_cast %add3A_467 : i32 to index
        %get3A_469 = arith.constant 64 : index
        %get3A_470 = tpu.vector_load %arg4[%get3A_468, %get3A_469] {strides = array<i32>} : memref<640x128xf32, #tpu.memory_space<vmem>>, vector<1x16xf32>,
        %get3A_471 = vector.shape_cast %get3A_470 : vector<1x16xf32> to vector<16xf32>
        %add3A_472 = arith.addf %add3A_416, %get3A_471 : vector<16xf32>
        %add3A_473 = arith.constant 2 : i32
        %add3A_474 = arith.addi %add3A_326, %add3A_473 : i32
        %get3A_475 = arith.index_cast %add3A_474 : i32 to index
        %get3A_476 = arith.constant 80 : index
        %get3A_477 = tpu.vector_load %arg4[%get3A_475, %get3A_476] {strides = array<i32>} : memref<640x128xf32, #tpu.memory_space<vmem>>, vector<1x16xf32>,
        %get3A_478 = vector.shape_cast %get3A_477 : vector<1x16xf32> to vector<16xf32>
        %add3A_479 = arith.addf %add3A_423, %get3A_478 : vector<16xf32>
        %add3A_480 = arith.constant 2 : i32
        %add3A_481 = arith.addi %add3A_326, %add3A_480 : i32
        %get3A_482 = arith.index_cast %add3A_481 : i32 to index
        %get3A_483 = arith.constant 96 : index
        %get3A_484 = tpu.vector_load %arg4[%get3A_482, %get3A_483] {strides = array<i32>} : memref<640x128xf32, #tpu.memory_space<vmem>>, vector<1x16xf32>,
        %get3A_485 = vector.shape_cast %get3A_484 : vector<1x16xf32> to vector<16xf32>
        %add3A_486 = arith.addf %add3A_430, %get3A_485 : vector<16xf32>
        %add3A_487 = arith.constant 2 : i32
        %add3A_488 = arith.addi %add3A_326, %add3A_487 : i32
        %get3A_489 = arith.index_cast %add3A_488 : i32 to index
        %get3A_490 = arith.constant 112 : index
        %get3A_491 = tpu.vector_load %arg4[%get3A_489, %get3A_490] {strides = array<i32>} : memref<640x128xf32, #tpu.memory_space<vmem>>, vector<1x16xf32>,
        %get3A_492 = vector.shape_cast %get3A_491 : vector<1x16xf32> to vector<16xf32>
        %add3A_493 = arith.addf %add3A_437, %get3A_492 : vector<16xf32>
        %add3A_494 = arith.constant 3 : i32
        %add3A_495 = arith.addi %add3A_326, %add3A_494 : i32
        %get3A_496 = arith.index_cast %add3A_495 : i32 to index
        %get3A_497 = arith.constant 0 : index
        %get3A_498 = tpu.vector_load %arg4[%get3A_496, %get3A_497] {strides = array<i32>} : memref<640x128xf32, #tpu.memory_space<vmem>>, vector<1x16xf32>,
        %get3A_499 = vector.shape_cast %get3A_498 : vector<1x16xf32> to vector<16xf32>
        %add3A_500 = arith.addf %add3A_444, %get3A_499 : vector<16xf32>
        %add3A_501 = arith.constant 3 : i32
        %add3A_502 = arith.addi %add3A_326, %add3A_501 : i32
        %get3A_503 = arith.index_cast %add3A_502 : i32 to index
        %get3A_504 = arith.constant 16 : index
        %get3A_505 = tpu.vector_load %arg4[%get3A_503, %get3A_504] {strides = array<i32>} : memref<640x128xf32, #tpu.memory_space<vmem>>, vector<1x16xf32>,
        %get3A_506 = vector.shape_cast %get3A_505 : vector<1x16xf32> to vector<16xf32>
        %add3A_507 = arith.addf %add3A_451, %get3A_506 : vector<16xf32>
        %add3A_508 = arith.constant 3 : i32
        %add3A_509 = arith.addi %add3A_326, %add3A_508 : i32
        %get3A_510 = arith.index_cast %add3A_509 : i32 to index
        %get3A_511 = arith.constant 32 : index
        %get3A_512 = tpu.vector_load %arg4[%get3A_510, %get3A_511] {strides = array<i32>} : memref<640x128xf32, #tpu.memory_space<vmem>>, vector<1x16xf32>,
        %get3A_513 = vector.shape_cast %get3A_512 : vector<1x16xf32> to vector<16xf32>
        %add3A_514 = arith.addf %add3A_458, %get3A_513 : vector<16xf32>
        %add3A_515 = arith.constant 3 : i32
        %add3A_516 = arith.addi %add3A_326, %add3A_515 : i32
        %get3A_517 = arith.index_cast %add3A_516 : i32 to index
        %get3A_518 = arith.constant 48 : index
        %get3A_519 = tpu.vector_load %arg4[%get3A_517, %get3A_518] {strides = array<i32>} : memref<640x128xf32, #tpu.memory_space<vmem>>, vector<1x16xf32>,
        %get3A_520 = vector.shape_cast %get3A_519 : vector<1x16xf32> to vector<16xf32>
        %add3A_521 = arith.addf %add3A_465, %get3A_520 : vector<16xf32>
        %add3A_522 = arith.constant 3 : i32
        %add3A_523 = arith.addi %add3A_326, %add3A_522 : i32
        %get3A_524 = arith.index_cast %add3A_523 : i32 to index
        %get3A_525 = arith.constant 64 : index
        %get3A_526 = tpu.vector_load %arg4[%get3A_524, %get3A_525] {strides = array<i32>} : memref<640x128xf32, #tpu.memory_space<vmem>>, vector<1x16xf32>,
        %get3A_527 = vector.shape_cast %get3A_526 : vector<1x16xf32> to vector<16xf32>
        %add3A_528 = arith.addf %add3A_472, %get3A_527 : vector<16xf32>
        %add3A_529 = arith.constant 3 : i32
        %add3A_530 = arith.addi %add3A_326, %add3A_529 : i32
        %get3A_531 = arith.index_cast %add3A_530 : i32 to index
        %get3A_532 = arith.constant 80 : index
        %get3A_533 = tpu.vector_load %arg4[%get3A_531, %get3A_532] {strides = array<i32>} : memref<640x128xf32, #tpu.memory_space<vmem>>, vector<1x16xf32>,
        %get3A_534 = vector.shape_cast %get3A_533 : vector<1x16xf32> to vector<16xf32>
        %add3A_535 = arith.addf %add3A_479, %get3A_534 : vector<16xf32>
        %add3A_536 = arith.constant 3 : i32
        %add3A_537 = arith.addi %add3A_326, %add3A_536 : i32
        %get3A_538 = arith.index_cast %add3A_537 : i32 to index
        %get3A_539 = arith.constant 96 : index
        %get3A_540 = tpu.vector_load %arg4[%get3A_538, %get3A_539] {strides = array<i32>} : memref<640x128xf32, #tpu.memory_space<vmem>>, vector<1x16xf32>,
        %get3A_541 = vector.shape_cast %get3A_540 : vector<1x16xf32> to vector<16xf32>
        %add3A_542 = arith.addf %add3A_486, %get3A_541 : vector<16xf32>
        %add3A_543 = arith.constant 3 : i32
        %add3A_544 = arith.addi %add3A_326, %add3A_543 : i32
        %get3A_545 = arith.index_cast %add3A_544 : i32 to index
        %get3A_546 = arith.constant 112 : index
        %get3A_547 = tpu.vector_load %arg4[%get3A_545, %get3A_546] {strides = array<i32>} : memref<640x128xf32, #tpu.memory_space<vmem>>, vector<1x16xf32>,
        %get3A_548 = vector.shape_cast %get3A_547 : vector<1x16xf32> to vector<16xf32>
        %add3A_549 = arith.addf %add3A_493, %get3A_548 : vector<16xf32>
        scf.yield %add3A_500, %add3A_507, %add3A_514, %add3A_521, %add3A_528, %add3A_535, %add3A_542, %add3A_549 : vector<16xf32>, vector<16xf32>, vector<16xf32>, vector<16xf32>, vector<16xf32>, vector<16xf32>, vector<16xf32>, vector<16xf32>
      }
      %scan3A_306 = arith.constant 80 : i32
      %add3A_307 = arith.constant 2 : i32
      %add3A_308 = arith.addi %add3A_286, %add3A_307 : i32
      %lt3A_309 = arith.constant 4 : i32
      %lt3A_310 = arith.cmpi slt, %add3A_308, %lt3A_309 : i32
      %convert_element_type3A_311 = arith.extui %lt3A_310 : i1 to i32
      %cond3A_312 = arith.constant 0 : i32
      %cond3A_313 = arith.cmpi ne, %convert_element_type3A_311, %cond3A_312 : i32
      scf.if %cond3A_313 {
        %add3A_314 = arith.constant 2 : i32
        %add3A_315 = arith.addi %add3A_286, %add3A_314 : i32
        %mul3A_316 = arith.constant 320 : i32
        %mul3A_317 = arith.muli %add3A_315, %mul3A_316 : i32
        %dma_start3A_318 = arith.constant 320 : i32
        %dma_start3A_319 = arith.constant 0 : i32
        %dma_start3A_320 = tpu.memref_slice %arg4[%dma_start3A_318, %dma_start3A_319] : memref<640x128xf32, #tpu.memory_space<vmem>> -> memref<320x128xf32, #tpu.memory_space<vmem>>
        %dma_start3A_321 = arith.constant 0 : i32
        %dma_start3A_322 = tpu.memref_slice %arg2[%add3A_4, %mul3A_317, %dma_start3A_321] : memref<64x4096x128xf32, #tpu.memory_space<hbm>> -> memref<1x320x128xf32, #tpu.memory_space<hbm>>
        %dma_start3A_323 = tpu.memref_squeeze %dma_start3A_322 : memref<1x320x128xf32, #tpu.memory_space<hbm>> -> memref<320x128xf32, #tpu.memory_space<hbm>>
        %dma_start3A_324 = arith.constant 320 : i32
        %dma_start3A_325 = arith.constant 0 : i32
        %dma_start3A_326 = tpu.memref_slice %arg4[%dma_start3A_324, %dma_start3A_325] : memref<640x128xf32, #tpu.memory_space<vmem>> -> memref<320x128xf32, #tpu.memory_space<vmem>>
        %dma_start3A_327 = arith.constant 0 : i32
        %dma_start3A_328 = tpu.memref_slice %arg2[%add3A_4, %mul3A_317, %dma_start3A_327] : memref<64x4096x128xf32, #tpu.memory_space<hbm>> -> memref<1x320x128xf32, #tpu.memory_space<hbm>>
        %dma_start3A_329 = tpu.memref_squeeze %dma_start3A_328 : memref<1x320x128xf32, #tpu.memory_space<hbm>> -> memref<320x128xf32, #tpu.memory_space<hbm>>
        tpu.enqueue_dma source(%dma_start3A_329 : memref<320x128xf32, #tpu.memory_space<hbm>>) target(%dma_start3A_326 : memref<320x128xf32, #tpu.memory_space<vmem>>) target_semaphore(%arg7 : memref<!tpu.dma_semaphore, #tpu.memory_space<semaphore_mem>>)
      } else {
      }
      scf.yield %scan3A_305#0, %scan3A_305#1, %scan3A_305#2, %scan3A_305#3, %scan3A_305#4, %scan3A_305#5, %scan3A_305#6, %scan3A_305#7 : vector<16xf32>, vector<16xf32>, vector<16xf32>, vector<16xf32>, vector<16xf32>, vector<16xf32>, vector<16xf32>, vector<16xf32>
    }
    %scan3A_51 = arith.constant 2 : i32
    %mul3A_52 = arith.constant 7.812500e-03 : f32
    %mul3A_53 = vector.broadcast %mul3A_52 : f32 to vector<16xf32>
    %mul3A_54 = arith.mulf %scan3A_50#0, %mul3A_53 : vector<16xf32>
    %swap3A = arith.constant 0 : i32
    %swap3A_55 = arith.index_cast %swap3A : i32 to index
    %swap3A_56 = arith.constant 0 : index
    %swap3A_57 = tpu.vector_load %arg5[%swap3A_55, %swap3A_56] {strides = array<i32>} : memref<2x128xf32, #tpu.memory_space<vmem>>, vector<1x16xf32>,
    %swap3A_58 = vector.shape_cast %swap3A_57 : vector<1x16xf32> to vector<16xf32>
    %swap3A_59 = vector.shape_cast %mul3A_54 : vector<16xf32> to vector<1x16xf32>
    tpu.vector_store %arg5[%swap3A_55, %swap3A_56], %swap3A_59 {strides = array<i32>} : memref<2x128xf32, #tpu.memory_space<vmem>>, vector<1x16xf32>,
    %mul3A_60 = arith.constant 7.812500e-03 : f32
    %mul3A_61 = vector.broadcast %mul3A_60 : f32 to vector<16xf32>
    %mul3A_62 = arith.mulf %scan3A_50#1, %mul3A_61 : vector<16xf32>
    %swap3A_63 = arith.constant 0 : i32
    %swap3A_64 = arith.index_cast %swap3A_63 : i32 to index
    %swap3A_65 = arith.constant 16 : index
    %swap3A_66 = tpu.vector_load %arg5[%swap3A_64, %swap3A_65] {strides = array<i32>} : memref<2x128xf32, #tpu.memory_space<vmem>>, vector<1x16xf32>,
    %swap3A_67 = vector.shape_cast %swap3A_66 : vector<1x16xf32> to vector<16xf32>
    %swap3A_68 = vector.shape_cast %mul3A_62 : vector<16xf32> to vector<1x16xf32>
    tpu.vector_store %arg5[%swap3A_64, %swap3A_65], %swap3A_68 {strides = array<i32>} : memref<2x128xf32, #tpu.memory_space<vmem>>, vector<1x16xf32>,
    %mul3A_69 = arith.constant 7.812500e-03 : f32
    %mul3A_70 = vector.broadcast %mul3A_69 : f32 to vector<16xf32>
    %mul3A_71 = arith.mulf %scan3A_50#2, %mul3A_70 : vector<16xf32>
    %swap3A_72 = arith.constant 0 : i32
    %swap3A_73 = arith.index_cast %swap3A_72 : i32 to index
    %swap3A_74 = arith.constant 32 : index
    %swap3A_75 = tpu.vector_load %arg5[%swap3A_73, %swap3A_74] {strides = array<i32>} : memref<2x128xf32, #tpu.memory_space<vmem>>, vector<1x16xf32>,
    %swap3A_76 = vector.shape_cast %swap3A_75 : vector<1x16xf32> to vector<16xf32>
    %swap3A_77 = vector.shape_cast %mul3A_71 : vector<16xf32> to vector<1x16xf32>
    tpu.vector_store %arg5[%swap3A_73, %swap3A_74], %swap3A_77 {strides = array<i32>} : memref<2x128xf32, #tpu.memory_space<vmem>>, vector<1x16xf32>,
    %mul3A_78 = arith.constant 7.812500e-03 : f32
    %mul3A_79 = vector.broadcast %mul3A_78 : f32 to vector<16xf32>
    %mul3A_80 = arith.mulf %scan3A_50#3, %mul3A_79 : vector<16xf32>
    %swap3A_81 = arith.constant 0 : i32
    %swap3A_82 = arith.index_cast %swap3A_81 : i32 to index
    %swap3A_83 = arith.constant 48 : index
    %swap3A_84 = tpu.vector_load %arg5[%swap3A_82, %swap3A_83] {strides = array<i32>} : memref<2x128xf32, #tpu.memory_space<vmem>>, vector<1x16xf32>,
    %swap3A_85 = vector.shape_cast %swap3A_84 : vector<1x16xf32> to vector<16xf32>
    %swap3A_86 = vector.shape_cast %mul3A_80 : vector<16xf32> to vector<1x16xf32>
    tpu.vector_store %arg5[%swap3A_82, %swap3A_83], %swap3A_86 {strides = array<i32>} : memref<2x128xf32, #tpu.memory_space<vmem>>, vector<1x16xf32>,
    %mul3A_87 = arith.constant 7.812500e-03 : f32
    %mul3A_88 = vector.broadcast %mul3A_87 : f32 to vector<16xf32>
    %mul3A_89 = arith.mulf %scan3A_50#4, %mul3A_88 : vector<16xf32>
    %swap3A_90 = arith.constant 0 : i32
    %swap3A_91 = arith.index_cast %swap3A_90 : i32 to index
    %swap3A_92 = arith.constant 64 : index
    %swap3A_93 = tpu.vector_load %arg5[%swap3A_91, %swap3A_92] {strides = array<i32>} : memref<2x128xf32, #tpu.memory_space<vmem>>, vector<1x16xf32>,
    %swap3A_94 = vector.shape_cast %swap3A_93 : vector<1x16xf32> to vector<16xf32>
    %swap3A_95 = vector.shape_cast %mul3A_89 : vector<16xf32> to vector<1x16xf32>
    tpu.vector_store %arg5[%swap3A_91, %swap3A_92], %swap3A_95 {strides = array<i32>} : memref<2x128xf32, #tpu.memory_space<vmem>>, vector<1x16xf32>,
    %mul3A_96 = arith.constant 7.812500e-03 : f32
    %mul3A_97 = vector.broadcast %mul3A_96 : f32 to vector<16xf32>
    %mul3A_98 = arith.mulf %scan3A_50#5, %mul3A_97 : vector<16xf32>
    %swap3A_99 = arith.constant 0 : i32
    %swap3A_100 = arith.index_cast %swap3A_99 : i32 to index
    %swap3A_101 = arith.constant 80 : index
    %swap3A_102 = tpu.vector_load %arg5[%swap3A_100, %swap3A_101] {strides = array<i32>} : memref<2x128xf32, #tpu.memory_space<vmem>>, vector<1x16xf32>,
    %swap3A_103 = vector.shape_cast %swap3A_102 : vector<1x16xf32> to vector<16xf32>
    %swap3A_104 = vector.shape_cast %mul3A_98 : vector<16xf32> to vector<1x16xf32>
    tpu.vector_store %arg5[%swap3A_100, %swap3A_101], %swap3A_104 {strides = array<i32>} : memref<2x128xf32, #tpu.memory_space<vmem>>, vector<1x16xf32>,
    %mul3A_105 = arith.constant 7.812500e-03 : f32
    %mul3A_106 = vector.broadcast %mul3A_105 : f32 to vector<16xf32>
    %mul3A_107 = arith.mulf %scan3A_50#6, %mul3A_106 : vector<16xf32>
    %swap3A_108 = arith.constant 0 : i32
    %swap3A_109 = arith.index_cast %swap3A_108 : i32 to index
    %swap3A_110 = arith.constant 96 : index
    %swap3A_111 = tpu.vector_load %arg5[%swap3A_109, %swap3A_110] {strides = array<i32>} : memref<2x128xf32, #tpu.memory_space<vmem>>, vector<1x16xf32>,
    %swap3A_112 = vector.shape_cast %swap3A_111 : vector<1x16xf32> to vector<16xf32>
    %swap3A_113 = vector.shape_cast %mul3A_107 : vector<16xf32> to vector<1x16xf32>
    tpu.vector_store %arg5[%swap3A_109, %swap3A_110], %swap3A_113 {strides = array<i32>} : memref<2x128xf32, #tpu.memory_space<vmem>>, vector<1x16xf32>,
    %mul3A_114 = arith.constant 7.812500e-03 : f32
    %mul3A_115 = vector.broadcast %mul3A_114 : f32 to vector<16xf32>
    %mul3A_116 = arith.mulf %scan3A_50#7, %mul3A_115 : vector<16xf32>
    %swap3A_117 = arith.constant 0 : i32
    %swap3A_118 = arith.index_cast %swap3A_117 : i32 to index
    %swap3A_119 = arith.constant 112 : index
    %swap3A_120 = tpu.vector_load %arg5[%swap3A_118, %swap3A_119] {strides = array<i32>} : memref<2x128xf32, #tpu.memory_space<vmem>>, vector<1x16xf32>,
    %swap3A_121 = vector.shape_cast %swap3A_120 : vector<1x16xf32> to vector<16xf32>
    %swap3A_122 = vector.shape_cast %mul3A_116 : vector<16xf32> to vector<1x16xf32>
    tpu.vector_store %arg5[%swap3A_118, %swap3A_119], %swap3A_122 {strides = array<i32>} : memref<2x128xf32, #tpu.memory_space<vmem>>, vector<1x16xf32>,
    %add3A_123 = arith.constant 1 : i32
    %add3A_124 = arith.addi %mul3A_2, %add3A_123 : i32
    %dma_start3A_125 = arith.constant 0 : i32
    %dma_start3A_126 = arith.constant 0 : i32
    %dma_start3A_127 = tpu.memref_slice %arg4[%dma_start3A_125, %dma_start3A_126] : memref<640x128xf32, #tpu.memory_space<vmem>> -> memref<320x128xf32, #tpu.memory_space<vmem>>
    %dma_start3A_128 = arith.constant 0 : i32
    %dma_start3A_129 = arith.constant 0 : i32
    %dma_start3A_130 = tpu.memref_slice %arg2[%add3A_124, %dma_start3A_128, %dma_start3A_129] : memref<64x4096x128xf32, #tpu.memory_space<hbm>> -> memref<1x320x128xf32, #tpu.memory_space<hbm>>
    %dma_start3A_131 = tpu.memref_squeeze %dma_start3A_130 : memref<1x320x128xf32, #tpu.memory_space<hbm>> -> memref<320x128xf32, #tpu.memory_space<hbm>>
    %dma_start3A_132 = arith.constant 0 : i32
    %dma_start3A_133 = arith.constant 0 : i32
    %dma_start3A_134 = tpu.memref_slice %arg4[%dma_start3A_132, %dma_start3A_133] : memref<640x128xf32, #tpu.memory_space<vmem>> -> memref<320x128xf32, #tpu.memory_space<vmem>>
    %dma_start3A_135 = arith.constant 0 : i32
    %dma_start3A_136 = arith.constant 0 : i32
    %dma_start3A_137 = tpu.memref_slice %arg2[%add3A_124, %dma_start3A_135, %dma_start3A_136] : memref<64x4096x128xf32, #tpu.memory_space<hbm>> -> memref<1x320x128xf32, #tpu.memory_space<hbm>>
    %dma_start3A_138 = tpu.memref_squeeze %dma_start3A_137 : memref<1x320x128xf32, #tpu.memory_space<hbm>> -> memref<320x128xf32, #tpu.memory_space<hbm>>
    tpu.enqueue_dma source(%dma_start3A_138 : memref<320x128xf32, #tpu.memory_space<hbm>>) target(%dma_start3A_134 : memref<320x128xf32, #tpu.memory_space<vmem>>) target_semaphore(%arg6 : memref<!tpu.dma_semaphore, #tpu.memory_space<semaphore_mem>>)
    %dma_start3A_139 = arith.constant 320 : i32
    %dma_start3A_140 = arith.constant 0 : i32
    %dma_start3A_141 = tpu.memref_slice %arg4[%dma_start3A_139, %dma_start3A_140] : memref<640x128xf32, #tpu.memory_space<vmem>> -> memref<320x128xf32, #tpu.memory_space<vmem>>
    %dma_start3A_142 = arith.constant 320 : i32
    %dma_start3A_143 = arith.constant 0 : i32
    %dma_start3A_144 = tpu.memref_slice %arg2[%add3A_124, %dma_start3A_142, %dma_start3A_143] : memref<64x4096x128xf32, #tpu.memory_space<hbm>> -> memref<1x320x128xf32, #tpu.memory_space<hbm>>
    %dma_start3A_145 = tpu.memref_squeeze %dma_start3A_144 : memref<1x320x128xf32, #tpu.memory_space<hbm>> -> memref<320x128xf32, #tpu.memory_space<hbm>>
    %dma_start3A_146 = arith.constant 320 : i32
    %dma_start3A_147 = arith.constant 0 : i32
    %dma_start3A_148 = tpu.memref_slice %arg4[%dma_start3A_146, %dma_start3A_147] : memref<640x128xf32, #tpu.memory_space<vmem>> -> memref<320x128xf32, #tpu.memory_space<vmem>>
    %dma_start3A_149 = arith.constant 320 : i32
    %dma_start3A_150 = arith.constant 0 : i32
    %dma_start3A_151 = tpu.memref_slice %arg2[%add3A_124, %dma_start3A_149, %dma_start3A_150] : memref<64x4096x128xf32, #tpu.memory_space<hbm>> -> memref<1x320x128xf32, #tpu.memory_space<hbm>>
    %dma_start3A_152 = tpu.memref_squeeze %dma_start3A_151 : memref<1x320x128xf32, #tpu.memory_space<hbm>> -> memref<320x128xf32, #tpu.memory_space<hbm>>
    tpu.enqueue_dma source(%dma_start3A_152 : memref<320x128xf32, #tpu.memory_space<hbm>>) target(%dma_start3A_148 : memref<320x128xf32, #tpu.memory_space<vmem>>) target_semaphore(%arg7 : memref<!tpu.dma_semaphore, #tpu.memory_space<semaphore_mem>>)
    %broadcast_in_dim3A_153 = arith.constant 0.000000e+00 : f32
    %broadcast_in_dim3A_154 = vector.broadcast %broadcast_in_dim3A_153 : f32 to vector<16xf32>
    %broadcast_in_dim3A_155 = arith.constant 0.000000e+00 : f32
    %broadcast_in_dim3A_156 = vector.broadcast %broadcast_in_dim3A_155 : f32 to vector<16xf32>
    %broadcast_in_dim3A_157 = arith.constant 0.000000e+00 : f32
    %broadcast_in_dim3A_158 = vector.broadcast %broadcast_in_dim3A_157 : f32 to vector<16xf32>
    %broadcast_in_dim3A_159 = arith.constant 0.000000e+00 : f32
    %broadcast_in_dim3A_160 = vector.broadcast %broadcast_in_dim3A_159 : f32 to vector<16xf32>
    %broadcast_in_dim3A_161 = arith.constant 0.000000e+00 : f32
    %broadcast_in_dim3A_162 = vector.broadcast %broadcast_in_dim3A_161 : f32 to vector<16xf32>
    %broadcast_in_dim3A_163 = arith.constant 0.000000e+00 : f32
    %broadcast_in_dim3A_164 = vector.broadcast %broadcast_in_dim3A_163 : f32 to vector<16xf32>
    %broadcast_in_dim3A_165 = arith.constant 0.000000e+00 : f32
    %broadcast_in_dim3A_166 = vector.broadcast %broadcast_in_dim3A_165 : f32 to vector<16xf32>
    %broadcast_in_dim3A_167 = arith.constant 0.000000e+00 : f32
    %broadcast_in_dim3A_168 = vector.broadcast %broadcast_in_dim3A_167 : f32 to vector<16xf32>
    %scan3A_169 = arith.constant 0 : i32
    %scan3A_170 = arith.constant 2 : i32
    %scan3A_171 = arith.addi %scan3A_169, %scan3A_170 : i32
    %scan3A_172 = arith.constant 1 : i32
    %scan3A_173:8 = scf.for %scan3A_247 = %scan3A_169 to %scan3A_171 step %scan3A_172 iter_args(%scan3A_248 = %broadcast_in_dim3A_154, %scan3A_249 = %broadcast_in_dim3A_156, %scan3A_250 = %broadcast_in_dim3A_158, %scan3A_251 = %broadcast_in_dim3A_160, %scan3A_252 = %broadcast_in_dim3A_162, %scan3A_253 = %broadcast_in_dim3A_164, %scan3A_254 = %broadcast_in_dim3A_166, %scan3A_255 = %broadcast_in_dim3A_168) -> (vector<16xf32>, vector<16xf32>, vector<16xf32>, vector<16xf32>, vector<16xf32>, vector<16xf32>, vector<16xf32>, vector<16xf32>)  : i32 {
      %mul3A_256 = arith.constant 2 : i32
      %mul3A_257 = arith.muli %mul3A_256, %scan3A_247 : i32
      %add3A_258 = arith.constant 0 : i32
      %add3A_259 = arith.addi %mul3A_257, %add3A_258 : i32
      %mul3A_260 = arith.constant 320 : i32
      %mul3A_261 = arith.muli %add3A_259, %mul3A_260 : i32
      %dma_wait3A = arith.constant 0 : i32
      %dma_wait3A_262 = arith.constant 0 : i32
      %dma_wait3A_263 = tpu.memref_slice %arg4[%dma_wait3A, %dma_wait3A_262] : memref<640x128xf32, #tpu.memory_space<vmem>> -> memref<320x128xf32, #tpu.memory_space<vmem>>
      %dma_wait3A_264 = arith.constant 0 : i32
      %dma_wait3A_265 = tpu.memref_slice %arg2[%add3A_124, %mul3A_261, %dma_wait3A_264] : memref<64x4096x128xf32, #tpu.memory_space<hbm>> -> memref<1x320x128xf32, #tpu.memory_space<hbm>>
      %dma_wait3A_266 = tpu.memref_squeeze %dma_wait3A_265 : memref<1x320x128xf32, #tpu.memory_space<hbm>> -> memref<320x128xf32, #tpu.memory_space<hbm>>
      %dma_wait3A_267 = arith.constant 0 : i32
      %dma_wait3A_268 = arith.constant 0 : i32
      %dma_wait3A_269 = tpu.memref_slice %arg4[%dma_wait3A_267, %dma_wait3A_268] : memref<640x128xf32, #tpu.memory_space<vmem>> -> memref<320x128xf32, #tpu.memory_space<vmem>>
      %dma_wait3A_270 = arith.constant 0 : i32
      %dma_wait3A_271 = tpu.memref_slice %arg2[%add3A_124, %mul3A_261, %dma_wait3A_270] : memref<64x4096x128xf32, #tpu.memory_space<hbm>> -> memref<1x320x128xf32, #tpu.memory_space<hbm>>
      %dma_wait3A_272 = tpu.memref_squeeze %dma_wait3A_271 : memref<1x320x128xf32, #tpu.memory_space<hbm>> -> memref<320x128xf32, #tpu.memory_space<hbm>>
      tpu.wait_dma2 semaphore(%arg6 : memref<!tpu.dma_semaphore, #tpu.memory_space<semaphore_mem>>) src(%dma_wait3A_272 : memref<320x128xf32, #tpu.memory_space<hbm>>) dst(%dma_wait3A_269 : memref<320x128xf32, #tpu.memory_space<vmem>>)
      %scan3A_273 = arith.constant 0 : i32
      %scan3A_274 = arith.constant 80 : i32
      %scan3A_275 = arith.addi %scan3A_273, %scan3A_274 : i32
      %scan3A_276 = arith.constant 1 : i32
      %scan3A_277:8 = scf.for %scan3A_314 = %scan3A_273 to %scan3A_275 step %scan3A_276 iter_args(%scan3A_315 = %scan3A_248, %scan3A_316 = %scan3A_249, %scan3A_317 = %scan3A_250, %scan3A_318 = %scan3A_251, %scan3A_319 = %scan3A_252, %scan3A_320 = %scan3A_253, %scan3A_321 = %scan3A_254, %scan3A_322 = %scan3A_255) -> (vector<16xf32>, vector<16xf32>, vector<16xf32>, vector<16xf32>, vector<16xf32>, vector<16xf32>, vector<16xf32>, vector<16xf32>)  : i32 {
        %mul3A_323 = arith.constant 4 : i32
        %mul3A_324 = arith.muli %scan3A_314, %mul3A_323 : i32
        %add3A_325 = arith.constant 0 : i32
        %add3A_326 = arith.addi %add3A_325, %mul3A_324 : i32
        %add3A_327 = arith.constant 0 : i32
        %add3A_328 = arith.addi %add3A_326, %add3A_327 : i32
        %get3A = arith.index_cast %add3A_328 : i32 to index
        %get3A_329 = arith.constant 0 : index
        %get3A_330 = tpu.vector_load %arg4[%get3A, %get3A_329] {strides = array<i32>} : memref<640x128xf32, #tpu.memory_space<vmem>>, vector<1x16xf32>,
        %get3A_331 = vector.shape_cast %get3A_330 : vector<1x16xf32> to vector<16xf32>
        %add3A_332 = arith.addf %scan3A_315, %get3A_331 : vector<16xf32>
        %add3A_333 = arith.constant 0 : i32
        %add3A_334 = arith.addi %add3A_326, %add3A_333 : i32
        %get3A_335 = arith.index_cast %add3A_334 : i32 to index
        %get3A_336 = arith.constant 16 : index
        %get3A_337 = tpu.vector_load %arg4[%get3A_335, %get3A_336] {strides = array<i32>} : memref<640x128xf32, #tpu.memory_space<vmem>>, vector<1x16xf32>,
        %get3A_338 = vector.shape_cast %get3A_337 : vector<1x16xf32> to vector<16xf32>
        %add3A_339 = arith.addf %scan3A_316, %get3A_338 : vector<16xf32>
        %add3A_340 = arith.constant 0 : i32
        %add3A_341 = arith.addi %add3A_326, %add3A_340 : i32
        %get3A_342 = arith.index_cast %add3A_341 : i32 to index
        %get3A_343 = arith.constant 32 : index
        %get3A_344 = tpu.vector_load %arg4[%get3A_342, %get3A_343] {strides = array<i32>} : memref<640x128xf32, #tpu.memory_space<vmem>>, vector<1x16xf32>,
        %get3A_345 = vector.shape_cast %get3A_344 : vector<1x16xf32> to vector<16xf32>
        %add3A_346 = arith.addf %scan3A_317, %get3A_345 : vector<16xf32>
        %add3A_347 = arith.constant 0 : i32
        %add3A_348 = arith.addi %add3A_326, %add3A_347 : i32
        %get3A_349 = arith.index_cast %add3A_348 : i32 to index
        %get3A_350 = arith.constant 48 : index
        %get3A_351 = tpu.vector_load %arg4[%get3A_349, %get3A_350] {strides = array<i32>} : memref<640x128xf32, #tpu.memory_space<vmem>>, vector<1x16xf32>,
        %get3A_352 = vector.shape_cast %get3A_351 : vector<1x16xf32> to vector<16xf32>
        %add3A_353 = arith.addf %scan3A_318, %get3A_352 : vector<16xf32>
        %add3A_354 = arith.constant 0 : i32
        %add3A_355 = arith.addi %add3A_326, %add3A_354 : i32
        %get3A_356 = arith.index_cast %add3A_355 : i32 to index
        %get3A_357 = arith.constant 64 : index
        %get3A_358 = tpu.vector_load %arg4[%get3A_356, %get3A_357] {strides = array<i32>} : memref<640x128xf32, #tpu.memory_space<vmem>>, vector<1x16xf32>,
        %get3A_359 = vector.shape_cast %get3A_358 : vector<1x16xf32> to vector<16xf32>
        %add3A_360 = arith.addf %scan3A_319, %get3A_359 : vector<16xf32>
        %add3A_361 = arith.constant 0 : i32
        %add3A_362 = arith.addi %add3A_326, %add3A_361 : i32
        %get3A_363 = arith.index_cast %add3A_362 : i32 to index
        %get3A_364 = arith.constant 80 : index
        %get3A_365 = tpu.vector_load %arg4[%get3A_363, %get3A_364] {strides = array<i32>} : memref<640x128xf32, #tpu.memory_space<vmem>>, vector<1x16xf32>,
        %get3A_366 = vector.shape_cast %get3A_365 : vector<1x16xf32> to vector<16xf32>
        %add3A_367 = arith.addf %scan3A_320, %get3A_366 : vector<16xf32>
        %add3A_368 = arith.constant 0 : i32
        %add3A_369 = arith.addi %add3A_326, %add3A_368 : i32
        %get3A_370 = arith.index_cast %add3A_369 : i32 to index
        %get3A_371 = arith.constant 96 : index
        %get3A_372 = tpu.vector_load %arg4[%get3A_370, %get3A_371] {strides = array<i32>} : memref<640x128xf32, #tpu.memory_space<vmem>>, vector<1x16xf32>,
        %get3A_373 = vector.shape_cast %get3A_372 : vector<1x16xf32> to vector<16xf32>
        %add3A_374 = arith.addf %scan3A_321, %get3A_373 : vector<16xf32>
        %add3A_375 = arith.constant 0 : i32
        %add3A_376 = arith.addi %add3A_326, %add3A_375 : i32
        %get3A_377 = arith.index_cast %add3A_376 : i32 to index
        %get3A_378 = arith.constant 112 : index
        %get3A_379 = tpu.vector_load %arg4[%get3A_377, %get3A_378] {strides = array<i32>} : memref<640x128xf32, #tpu.memory_space<vmem>>, vector<1x16xf32>,
        %get3A_380 = vector.shape_cast %get3A_379 : vector<1x16xf32> to vector<16xf32>
        %add3A_381 = arith.addf %scan3A_322, %get3A_380 : vector<16xf32>
        %add3A_382 = arith.constant 1 : i32
        %add3A_383 = arith.addi %add3A_326, %add3A_382 : i32
        %get3A_384 = arith.index_cast %add3A_383 : i32 to index
        %get3A_385 = arith.constant 0 : index
        %get3A_386 = tpu.vector_load %arg4[%get3A_384, %get3A_385] {strides = array<i32>} : memref<640x128xf32, #tpu.memory_space<vmem>>, vector<1x16xf32>,
        %get3A_387 = vector.shape_cast %get3A_386 : vector<1x16xf32> to vector<16xf32>
        %add3A_388 = arith.addf %add3A_332, %get3A_387 : vector<16xf32>
        %add3A_389 = arith.constant 1 : i32
        %add3A_390 = arith.addi %add3A_326, %add3A_389 : i32
        %get3A_391 = arith.index_cast %add3A_390 : i32 to index
        %get3A_392 = arith.constant 16 : index
        %get3A_393 = tpu.vector_load %arg4[%get3A_391, %get3A_392] {strides = array<i32>} : memref<640x128xf32, #tpu.memory_space<vmem>>, vector<1x16xf32>,
        %get3A_394 = vector.shape_cast %get3A_393 : vector<1x16xf32> to vector<16xf32>
        %add3A_395 = arith.addf %add3A_339, %get3A_394 : vector<16xf32>
        %add3A_396 = arith.constant 1 : i32
        %add3A_397 = arith.addi %add3A_326, %add3A_396 : i32
        %get3A_398 = arith.index_cast %add3A_397 : i32 to index
        %get3A_399 = arith.constant 32 : index
        %get3A_400 = tpu.vector_load %arg4[%get3A_398, %get3A_399] {strides = array<i32>} : memref<640x128xf32, #tpu.memory_space<vmem>>, vector<1x16xf32>,
        %get3A_401 = vector.shape_cast %get3A_400 : vector<1x16xf32> to vector<16xf32>
        %add3A_402 = arith.addf %add3A_346, %get3A_401 : vector<16xf32>
        %add3A_403 = arith.constant 1 : i32
        %add3A_404 = arith.addi %add3A_326, %add3A_403 : i32
        %get3A_405 = arith.index_cast %add3A_404 : i32 to index
        %get3A_406 = arith.constant 48 : index
        %get3A_407 = tpu.vector_load %arg4[%get3A_405, %get3A_406] {strides = array<i32>} : memref<640x128xf32, #tpu.memory_space<vmem>>, vector<1x16xf32>,
        %get3A_408 = vector.shape_cast %get3A_407 : vector<1x16xf32> to vector<16xf32>
        %add3A_409 = arith.addf %add3A_353, %get3A_408 : vector<16xf32>
        %add3A_410 = arith.constant 1 : i32
        %add3A_411 = arith.addi %add3A_326, %add3A_410 : i32
        %get3A_412 = arith.index_cast %add3A_411 : i32 to index
        %get3A_413 = arith.constant 64 : index
        %get3A_414 = tpu.vector_load %arg4[%get3A_412, %get3A_413] {strides = array<i32>} : memref<640x128xf32, #tpu.memory_space<vmem>>, vector<1x16xf32>,
        %get3A_415 = vector.shape_cast %get3A_414 : vector<1x16xf32> to vector<16xf32>
        %add3A_416 = arith.addf %add3A_360, %get3A_415 : vector<16xf32>
        %add3A_417 = arith.constant 1 : i32
        %add3A_418 = arith.addi %add3A_326, %add3A_417 : i32
        %get3A_419 = arith.index_cast %add3A_418 : i32 to index
        %get3A_420 = arith.constant 80 : index
        %get3A_421 = tpu.vector_load %arg4[%get3A_419, %get3A_420] {strides = array<i32>} : memref<640x128xf32, #tpu.memory_space<vmem>>, vector<1x16xf32>,
        %get3A_422 = vector.shape_cast %get3A_421 : vector<1x16xf32> to vector<16xf32>
        %add3A_423 = arith.addf %add3A_367, %get3A_422 : vector<16xf32>
        %add3A_424 = arith.constant 1 : i32
        %add3A_425 = arith.addi %add3A_326, %add3A_424 : i32
        %get3A_426 = arith.index_cast %add3A_425 : i32 to index
        %get3A_427 = arith.constant 96 : index
        %get3A_428 = tpu.vector_load %arg4[%get3A_426, %get3A_427] {strides = array<i32>} : memref<640x128xf32, #tpu.memory_space<vmem>>, vector<1x16xf32>,
        %get3A_429 = vector.shape_cast %get3A_428 : vector<1x16xf32> to vector<16xf32>
        %add3A_430 = arith.addf %add3A_374, %get3A_429 : vector<16xf32>
        %add3A_431 = arith.constant 1 : i32
        %add3A_432 = arith.addi %add3A_326, %add3A_431 : i32
        %get3A_433 = arith.index_cast %add3A_432 : i32 to index
        %get3A_434 = arith.constant 112 : index
        %get3A_435 = tpu.vector_load %arg4[%get3A_433, %get3A_434] {strides = array<i32>} : memref<640x128xf32, #tpu.memory_space<vmem>>, vector<1x16xf32>,
        %get3A_436 = vector.shape_cast %get3A_435 : vector<1x16xf32> to vector<16xf32>
        %add3A_437 = arith.addf %add3A_381, %get3A_436 : vector<16xf32>
        %add3A_438 = arith.constant 2 : i32
        %add3A_439 = arith.addi %add3A_326, %add3A_438 : i32
        %get3A_440 = arith.index_cast %add3A_439 : i32 to index
        %get3A_441 = arith.constant 0 : index
        %get3A_442 = tpu.vector_load %arg4[%get3A_440, %get3A_441] {strides = array<i32>} : memref<640x128xf32, #tpu.memory_space<vmem>>, vector<1x16xf32>,
        %get3A_443 = vector.shape_cast %get3A_442 : vector<1x16xf32> to vector<16xf32>
        %add3A_444 = arith.addf %add3A_388, %get3A_443 : vector<16xf32>
        %add3A_445 = arith.constant 2 : i32
        %add3A_446 = arith.addi %add3A_326, %add3A_445 : i32
        %get3A_447 = arith.index_cast %add3A_446 : i32 to index
        %get3A_448 = arith.constant 16 : index
        %get3A_449 = tpu.vector_load %arg4[%get3A_447, %get3A_448] {strides = array<i32>} : memref<640x128xf32, #tpu.memory_space<vmem>>, vector<1x16xf32>,
        %get3A_450 = vector.shape_cast %get3A_449 : vector<1x16xf32> to vector<16xf32>
        %add3A_451 = arith.addf %add3A_395, %get3A_450 : vector<16xf32>
        %add3A_452 = arith.constant 2 : i32
        %add3A_453 = arith.addi %add3A_326, %add3A_452 : i32
        %get3A_454 = arith.index_cast %add3A_453 : i32 to index
        %get3A_455 = arith.constant 32 : index
        %get3A_456 = tpu.vector_load %arg4[%get3A_454, %get3A_455] {strides = array<i32>} : memref<640x128xf32, #tpu.memory_space<vmem>>, vector<1x16xf32>,
        %get3A_457 = vector.shape_cast %get3A_456 : vector<1x16xf32> to vector<16xf32>
        %add3A_458 = arith.addf %add3A_402, %get3A_457 : vector<16xf32>
        %add3A_459 = arith.constant 2 : i32
        %add3A_460 = arith.addi %add3A_326, %add3A_459 : i32
        %get3A_461 = arith.index_cast %add3A_460 : i32 to index
        %get3A_462 = arith.constant 48 : index
        %get3A_463 = tpu.vector_load %arg4[%get3A_461, %get3A_462] {strides = array<i32>} : memref<640x128xf32, #tpu.memory_space<vmem>>, vector<1x16xf32>,
        %get3A_464 = vector.shape_cast %get3A_463 : vector<1x16xf32> to vector<16xf32>
        %add3A_465 = arith.addf %add3A_409, %get3A_464 : vector<16xf32>
        %add3A_466 = arith.constant 2 : i32
        %add3A_467 = arith.addi %add3A_326, %add3A_466 : i32
        %get3A_468 = arith.index_cast %add3A_467 : i32 to index
        %get3A_469 = arith.constant 64 : index
        %get3A_470 = tpu.vector_load %arg4[%get3A_468, %get3A_469] {strides = array<i32>} : memref<640x128xf32, #tpu.memory_space<vmem>>, vector<1x16xf32>,
        %get3A_471 = vector.shape_cast %get3A_470 : vector<1x16xf32> to vector<16xf32>
        %add3A_472 = arith.addf %add3A_416, %get3A_471 : vector<16xf32>
        %add3A_473 = arith.constant 2 : i32
        %add3A_474 = arith.addi %add3A_326, %add3A_473 : i32
        %get3A_475 = arith.index_cast %add3A_474 : i32 to index
        %get3A_476 = arith.constant 80 : index
        %get3A_477 = tpu.vector_load %arg4[%get3A_475, %get3A_476] {strides = array<i32>} : memref<640x128xf32, #tpu.memory_space<vmem>>, vector<1x16xf32>,
        %get3A_478 = vector.shape_cast %get3A_477 : vector<1x16xf32> to vector<16xf32>
        %add3A_479 = arith.addf %add3A_423, %get3A_478 : vector<16xf32>
        %add3A_480 = arith.constant 2 : i32
        %add3A_481 = arith.addi %add3A_326, %add3A_480 : i32
        %get3A_482 = arith.index_cast %add3A_481 : i32 to index
        %get3A_483 = arith.constant 96 : index
        %get3A_484 = tpu.vector_load %arg4[%get3A_482, %get3A_483] {strides = array<i32>} : memref<640x128xf32, #tpu.memory_space<vmem>>, vector<1x16xf32>,
        %get3A_485 = vector.shape_cast %get3A_484 : vector<1x16xf32> to vector<16xf32>
        %add3A_486 = arith.addf %add3A_430, %get3A_485 : vector<16xf32>
        %add3A_487 = arith.constant 2 : i32
        %add3A_488 = arith.addi %add3A_326, %add3A_487 : i32
        %get3A_489 = arith.index_cast %add3A_488 : i32 to index
        %get3A_490 = arith.constant 112 : index
        %get3A_491 = tpu.vector_load %arg4[%get3A_489, %get3A_490] {strides = array<i32>} : memref<640x128xf32, #tpu.memory_space<vmem>>, vector<1x16xf32>,
        %get3A_492 = vector.shape_cast %get3A_491 : vector<1x16xf32> to vector<16xf32>
        %add3A_493 = arith.addf %add3A_437, %get3A_492 : vector<16xf32>
        %add3A_494 = arith.constant 3 : i32
        %add3A_495 = arith.addi %add3A_326, %add3A_494 : i32
        %get3A_496 = arith.index_cast %add3A_495 : i32 to index
        %get3A_497 = arith.constant 0 : index
        %get3A_498 = tpu.vector_load %arg4[%get3A_496, %get3A_497] {strides = array<i32>} : memref<640x128xf32, #tpu.memory_space<vmem>>, vector<1x16xf32>,
        %get3A_499 = vector.shape_cast %get3A_498 : vector<1x16xf32> to vector<16xf32>
        %add3A_500 = arith.addf %add3A_444, %get3A_499 : vector<16xf32>
        %add3A_501 = arith.constant 3 : i32
        %add3A_502 = arith.addi %add3A_326, %add3A_501 : i32
        %get3A_503 = arith.index_cast %add3A_502 : i32 to index
        %get3A_504 = arith.constant 16 : index
        %get3A_505 = tpu.vector_load %arg4[%get3A_503, %get3A_504] {strides = array<i32>} : memref<640x128xf32, #tpu.memory_space<vmem>>, vector<1x16xf32>,
        %get3A_506 = vector.shape_cast %get3A_505 : vector<1x16xf32> to vector<16xf32>
        %add3A_507 = arith.addf %add3A_451, %get3A_506 : vector<16xf32>
        %add3A_508 = arith.constant 3 : i32
        %add3A_509 = arith.addi %add3A_326, %add3A_508 : i32
        %get3A_510 = arith.index_cast %add3A_509 : i32 to index
        %get3A_511 = arith.constant 32 : index
        %get3A_512 = tpu.vector_load %arg4[%get3A_510, %get3A_511] {strides = array<i32>} : memref<640x128xf32, #tpu.memory_space<vmem>>, vector<1x16xf32>,
        %get3A_513 = vector.shape_cast %get3A_512 : vector<1x16xf32> to vector<16xf32>
        %add3A_514 = arith.addf %add3A_458, %get3A_513 : vector<16xf32>
        %add3A_515 = arith.constant 3 : i32
        %add3A_516 = arith.addi %add3A_326, %add3A_515 : i32
        %get3A_517 = arith.index_cast %add3A_516 : i32 to index
        %get3A_518 = arith.constant 48 : index
        %get3A_519 = tpu.vector_load %arg4[%get3A_517, %get3A_518] {strides = array<i32>} : memref<640x128xf32, #tpu.memory_space<vmem>>, vector<1x16xf32>,
        %get3A_520 = vector.shape_cast %get3A_519 : vector<1x16xf32> to vector<16xf32>
        %add3A_521 = arith.addf %add3A_465, %get3A_520 : vector<16xf32>
        %add3A_522 = arith.constant 3 : i32
        %add3A_523 = arith.addi %add3A_326, %add3A_522 : i32
        %get3A_524 = arith.index_cast %add3A_523 : i32 to index
        %get3A_525 = arith.constant 64 : index
        %get3A_526 = tpu.vector_load %arg4[%get3A_524, %get3A_525] {strides = array<i32>} : memref<640x128xf32, #tpu.memory_space<vmem>>, vector<1x16xf32>,
        %get3A_527 = vector.shape_cast %get3A_526 : vector<1x16xf32> to vector<16xf32>
        %add3A_528 = arith.addf %add3A_472, %get3A_527 : vector<16xf32>
        %add3A_529 = arith.constant 3 : i32
        %add3A_530 = arith.addi %add3A_326, %add3A_529 : i32
        %get3A_531 = arith.index_cast %add3A_530 : i32 to index
        %get3A_532 = arith.constant 80 : index
        %get3A_533 = tpu.vector_load %arg4[%get3A_531, %get3A_532] {strides = array<i32>} : memref<640x128xf32, #tpu.memory_space<vmem>>, vector<1x16xf32>,
        %get3A_534 = vector.shape_cast %get3A_533 : vector<1x16xf32> to vector<16xf32>
        %add3A_535 = arith.addf %add3A_479, %get3A_534 : vector<16xf32>
        %add3A_536 = arith.constant 3 : i32
        %add3A_537 = arith.addi %add3A_326, %add3A_536 : i32
        %get3A_538 = arith.index_cast %add3A_537 : i32 to index
        %get3A_539 = arith.constant 96 : index
        %get3A_540 = tpu.vector_load %arg4[%get3A_538, %get3A_539] {strides = array<i32>} : memref<640x128xf32, #tpu.memory_space<vmem>>, vector<1x16xf32>,
        %get3A_541 = vector.shape_cast %get3A_540 : vector<1x16xf32> to vector<16xf32>
        %add3A_542 = arith.addf %add3A_486, %get3A_541 : vector<16xf32>
        %add3A_543 = arith.constant 3 : i32
        %add3A_544 = arith.addi %add3A_326, %add3A_543 : i32
        %get3A_545 = arith.index_cast %add3A_544 : i32 to index
        %get3A_546 = arith.constant 112 : index
        %get3A_547 = tpu.vector_load %arg4[%get3A_545, %get3A_546] {strides = array<i32>} : memref<640x128xf32, #tpu.memory_space<vmem>>, vector<1x16xf32>,
        %get3A_548 = vector.shape_cast %get3A_547 : vector<1x16xf32> to vector<16xf32>
        %add3A_549 = arith.addf %add3A_493, %get3A_548 : vector<16xf32>
        scf.yield %add3A_500, %add3A_507, %add3A_514, %add3A_521, %add3A_528, %add3A_535, %add3A_542, %add3A_549 : vector<16xf32>, vector<16xf32>, vector<16xf32>, vector<16xf32>, vector<16xf32>, vector<16xf32>, vector<16xf32>, vector<16xf32>
      }
      %scan3A_278 = arith.constant 80 : i32
      %add3A_279 = arith.constant 2 : i32
      %add3A_280 = arith.addi %add3A_259, %add3A_279 : i32
      %lt3A = arith.constant 4 : i32
      %lt3A_281 = arith.cmpi slt, %add3A_280, %lt3A : i32
      %convert_element_type3A = arith.extui %lt3A_281 : i1 to i32
      %cond3A = arith.constant 0 : i32
      %cond3A_282 = arith.cmpi ne, %convert_element_type3A, %cond3A : i32
      scf.if %cond3A_282 {
        %add3A_314 = arith.constant 2 : i32
        %add3A_315 = arith.addi %add3A_259, %add3A_314 : i32
        %mul3A_316 = arith.constant 320 : i32
        %mul3A_317 = arith.muli %add3A_315, %mul3A_316 : i32
        %dma_start3A_318 = arith.constant 0 : i32
        %dma_start3A_319 = arith.constant 0 : i32
        %dma_start3A_320 = tpu.memref_slice %arg4[%dma_start3A_318, %dma_start3A_319] : memref<640x128xf32, #tpu.memory_space<vmem>> -> memref<320x128xf32, #tpu.memory_space<vmem>>
        %dma_start3A_321 = arith.constant 0 : i32
        %dma_start3A_322 = tpu.memref_slice %arg2[%add3A_124, %mul3A_317, %dma_start3A_321] : memref<64x4096x128xf32, #tpu.memory_space<hbm>> -> memref<1x320x128xf32, #tpu.memory_space<hbm>>
        %dma_start3A_323 = tpu.memref_squeeze %dma_start3A_322 : memref<1x320x128xf32, #tpu.memory_space<hbm>> -> memref<320x128xf32, #tpu.memory_space<hbm>>
        %dma_start3A_324 = arith.constant 0 : i32
        %dma_start3A_325 = arith.constant 0 : i32
        %dma_start3A_326 = tpu.memref_slice %arg4[%dma_start3A_324, %dma_start3A_325] : memref<640x128xf32, #tpu.memory_space<vmem>> -> memref<320x128xf32, #tpu.memory_space<vmem>>
        %dma_start3A_327 = arith.constant 0 : i32
        %dma_start3A_328 = tpu.memref_slice %arg2[%add3A_124, %mul3A_317, %dma_start3A_327] : memref<64x4096x128xf32, #tpu.memory_space<hbm>> -> memref<1x320x128xf32, #tpu.memory_space<hbm>>
        %dma_start3A_329 = tpu.memref_squeeze %dma_start3A_328 : memref<1x320x128xf32, #tpu.memory_space<hbm>> -> memref<320x128xf32, #tpu.memory_space<hbm>>
        tpu.enqueue_dma source(%dma_start3A_329 : memref<320x128xf32, #tpu.memory_space<hbm>>) target(%dma_start3A_326 : memref<320x128xf32, #tpu.memory_space<vmem>>) target_semaphore(%arg6 : memref<!tpu.dma_semaphore, #tpu.memory_space<semaphore_mem>>)
      } else {
      }
      %mul3A_283 = arith.constant 2 : i32
      %mul3A_284 = arith.muli %mul3A_283, %scan3A_247 : i32
      %add3A_285 = arith.constant 1 : i32
      %add3A_286 = arith.addi %mul3A_284, %add3A_285 : i32
      %mul3A_287 = arith.constant 320 : i32
      %mul3A_288 = arith.muli %add3A_286, %mul3A_287 : i32
      %dma_wait3A_289 = arith.constant 320 : i32
      %dma_wait3A_290 = arith.constant 0 : i32
      %dma_wait3A_291 = tpu.memref_slice %arg4[%dma_wait3A_289, %dma_wait3A_290] : memref<640x128xf32, #tpu.memory_space<vmem>> -> memref<320x128xf32, #tpu.memory_space<vmem>>
      %dma_wait3A_292 = arith.constant 0 : i32
      %dma_wait3A_293 = tpu.memref_slice %arg2[%add3A_124, %mul3A_288, %dma_wait3A_292] : memref<64x4096x128xf32, #tpu.memory_space<hbm>> -> memref<1x320x128xf32, #tpu.memory_space<hbm>>
      %dma_wait3A_294 = tpu.memref_squeeze %dma_wait3A_293 : memref<1x320x128xf32, #tpu.memory_space<hbm>> -> memref<320x128xf32, #tpu.memory_space<hbm>>
      %dma_wait3A_295 = arith.constant 320 : i32
      %dma_wait3A_296 = arith.constant 0 : i32
      %dma_wait3A_297 = tpu.memref_slice %arg4[%dma_wait3A_295, %dma_wait3A_296] : memref<640x128xf32, #tpu.memory_space<vmem>> -> memref<320x128xf32, #tpu.memory_space<vmem>>
      %dma_wait3A_298 = arith.constant 0 : i32
      %dma_wait3A_299 = tpu.memref_slice %arg2[%add3A_124, %mul3A_288, %dma_wait3A_298] : memref<64x4096x128xf32, #tpu.memory_space<hbm>> -> memref<1x320x128xf32, #tpu.memory_space<hbm>>
      %dma_wait3A_300 = tpu.memref_squeeze %dma_wait3A_299 : memref<1x320x128xf32, #tpu.memory_space<hbm>> -> memref<320x128xf32, #tpu.memory_space<hbm>>
      tpu.wait_dma2 semaphore(%arg7 : memref<!tpu.dma_semaphore, #tpu.memory_space<semaphore_mem>>) src(%dma_wait3A_300 : memref<320x128xf32, #tpu.memory_space<hbm>>) dst(%dma_wait3A_297 : memref<320x128xf32, #tpu.memory_space<vmem>>)
      %scan3A_301 = arith.constant 0 : i32
      %scan3A_302 = arith.constant 80 : i32
      %scan3A_303 = arith.addi %scan3A_301, %scan3A_302 : i32
      %scan3A_304 = arith.constant 1 : i32
      %scan3A_305:8 = scf.for %scan3A_314 = %scan3A_301 to %scan3A_303 step %scan3A_304 iter_args(%scan3A_315 = %scan3A_277#0, %scan3A_316 = %scan3A_277#1, %scan3A_317 = %scan3A_277#2, %scan3A_318 = %scan3A_277#3, %scan3A_319 = %scan3A_277#4, %scan3A_320 = %scan3A_277#5, %scan3A_321 = %scan3A_277#6, %scan3A_322 = %scan3A_277#7) -> (vector<16xf32>, vector<16xf32>, vector<16xf32>, vector<16xf32>, vector<16xf32>, vector<16xf32>, vector<16xf32>, vector<16xf32>)  : i32 {
        %mul3A_323 = arith.constant 4 : i32
        %mul3A_324 = arith.muli %scan3A_314, %mul3A_323 : i32
        %add3A_325 = arith.constant 320 : i32
        %add3A_326 = arith.addi %add3A_325, %mul3A_324 : i32
        %add3A_327 = arith.constant 0 : i32
        %add3A_328 = arith.addi %add3A_326, %add3A_327 : i32
        %get3A = arith.index_cast %add3A_328 : i32 to index
        %get3A_329 = arith.constant 0 : index
        %get3A_330 = tpu.vector_load %arg4[%get3A, %get3A_329] {strides = array<i32>} : memref<640x128xf32, #tpu.memory_space<vmem>>, vector<1x16xf32>,
        %get3A_331 = vector.shape_cast %get3A_330 : vector<1x16xf32> to vector<16xf32>
        %add3A_332 = arith.addf %scan3A_315, %get3A_331 : vector<16xf32>
        %add3A_333 = arith.constant 0 : i32
        %add3A_334 = arith.addi %add3A_326, %add3A_333 : i32
        %get3A_335 = arith.index_cast %add3A_334 : i32 to index
        %get3A_336 = arith.constant 16 : index
        %get3A_337 = tpu.vector_load %arg4[%get3A_335, %get3A_336] {strides = array<i32>} : memref<640x128xf32, #tpu.memory_space<vmem>>, vector<1x16xf32>,
        %get3A_338 = vector.shape_cast %get3A_337 : vector<1x16xf32> to vector<16xf32>
        %add3A_339 = arith.addf %scan3A_316, %get3A_338 : vector<16xf32>
        %add3A_340 = arith.constant 0 : i32
        %add3A_341 = arith.addi %add3A_326, %add3A_340 : i32
        %get3A_342 = arith.index_cast %add3A_341 : i32 to index
        %get3A_343 = arith.constant 32 : index
        %get3A_344 = tpu.vector_load %arg4[%get3A_342, %get3A_343] {strides = array<i32>} : memref<640x128xf32, #tpu.memory_space<vmem>>, vector<1x16xf32>,
        %get3A_345 = vector.shape_cast %get3A_344 : vector<1x16xf32> to vector<16xf32>
        %add3A_346 = arith.addf %scan3A_317, %get3A_345 : vector<16xf32>
        %add3A_347 = arith.constant 0 : i32
        %add3A_348 = arith.addi %add3A_326, %add3A_347 : i32
        %get3A_349 = arith.index_cast %add3A_348 : i32 to index
        %get3A_350 = arith.constant 48 : index
        %get3A_351 = tpu.vector_load %arg4[%get3A_349, %get3A_350] {strides = array<i32>} : memref<640x128xf32, #tpu.memory_space<vmem>>, vector<1x16xf32>,
        %get3A_352 = vector.shape_cast %get3A_351 : vector<1x16xf32> to vector<16xf32>
        %add3A_353 = arith.addf %scan3A_318, %get3A_352 : vector<16xf32>
        %add3A_354 = arith.constant 0 : i32
        %add3A_355 = arith.addi %add3A_326, %add3A_354 : i32
        %get3A_356 = arith.index_cast %add3A_355 : i32 to index
        %get3A_357 = arith.constant 64 : index
        %get3A_358 = tpu.vector_load %arg4[%get3A_356, %get3A_357] {strides = array<i32>} : memref<640x128xf32, #tpu.memory_space<vmem>>, vector<1x16xf32>,
        %get3A_359 = vector.shape_cast %get3A_358 : vector<1x16xf32> to vector<16xf32>
        %add3A_360 = arith.addf %scan3A_319, %get3A_359 : vector<16xf32>
        %add3A_361 = arith.constant 0 : i32
        %add3A_362 = arith.addi %add3A_326, %add3A_361 : i32
        %get3A_363 = arith.index_cast %add3A_362 : i32 to index
        %get3A_364 = arith.constant 80 : index
        %get3A_365 = tpu.vector_load %arg4[%get3A_363, %get3A_364] {strides = array<i32>} : memref<640x128xf32, #tpu.memory_space<vmem>>, vector<1x16xf32>,
        %get3A_366 = vector.shape_cast %get3A_365 : vector<1x16xf32> to vector<16xf32>
        %add3A_367 = arith.addf %scan3A_320, %get3A_366 : vector<16xf32>
        %add3A_368 = arith.constant 0 : i32
        %add3A_369 = arith.addi %add3A_326, %add3A_368 : i32
        %get3A_370 = arith.index_cast %add3A_369 : i32 to index
        %get3A_371 = arith.constant 96 : index
        %get3A_372 = tpu.vector_load %arg4[%get3A_370, %get3A_371] {strides = array<i32>} : memref<640x128xf32, #tpu.memory_space<vmem>>, vector<1x16xf32>,
        %get3A_373 = vector.shape_cast %get3A_372 : vector<1x16xf32> to vector<16xf32>
        %add3A_374 = arith.addf %scan3A_321, %get3A_373 : vector<16xf32>
        %add3A_375 = arith.constant 0 : i32
        %add3A_376 = arith.addi %add3A_326, %add3A_375 : i32
        %get3A_377 = arith.index_cast %add3A_376 : i32 to index
        %get3A_378 = arith.constant 112 : index
        %get3A_379 = tpu.vector_load %arg4[%get3A_377, %get3A_378] {strides = array<i32>} : memref<640x128xf32, #tpu.memory_space<vmem>>, vector<1x16xf32>,
        %get3A_380 = vector.shape_cast %get3A_379 : vector<1x16xf32> to vector<16xf32>
        %add3A_381 = arith.addf %scan3A_322, %get3A_380 : vector<16xf32>
        %add3A_382 = arith.constant 1 : i32
        %add3A_383 = arith.addi %add3A_326, %add3A_382 : i32
        %get3A_384 = arith.index_cast %add3A_383 : i32 to index
        %get3A_385 = arith.constant 0 : index
        %get3A_386 = tpu.vector_load %arg4[%get3A_384, %get3A_385] {strides = array<i32>} : memref<640x128xf32, #tpu.memory_space<vmem>>, vector<1x16xf32>,
        %get3A_387 = vector.shape_cast %get3A_386 : vector<1x16xf32> to vector<16xf32>
        %add3A_388 = arith.addf %add3A_332, %get3A_387 : vector<16xf32>
        %add3A_389 = arith.constant 1 : i32
        %add3A_390 = arith.addi %add3A_326, %add3A_389 : i32
        %get3A_391 = arith.index_cast %add3A_390 : i32 to index
        %get3A_392 = arith.constant 16 : index
        %get3A_393 = tpu.vector_load %arg4[%get3A_391, %get3A_392] {strides = array<i32>} : memref<640x128xf32, #tpu.memory_space<vmem>>, vector<1x16xf32>,
        %get3A_394 = vector.shape_cast %get3A_393 : vector<1x16xf32> to vector<16xf32>
        %add3A_395 = arith.addf %add3A_339, %get3A_394 : vector<16xf32>
        %add3A_396 = arith.constant 1 : i32
        %add3A_397 = arith.addi %add3A_326, %add3A_396 : i32
        %get3A_398 = arith.index_cast %add3A_397 : i32 to index
        %get3A_399 = arith.constant 32 : index
        %get3A_400 = tpu.vector_load %arg4[%get3A_398, %get3A_399] {strides = array<i32>} : memref<640x128xf32, #tpu.memory_space<vmem>>, vector<1x16xf32>,
        %get3A_401 = vector.shape_cast %get3A_400 : vector<1x16xf32> to vector<16xf32>
        %add3A_402 = arith.addf %add3A_346, %get3A_401 : vector<16xf32>
        %add3A_403 = arith.constant 1 : i32
        %add3A_404 = arith.addi %add3A_326, %add3A_403 : i32
        %get3A_405 = arith.index_cast %add3A_404 : i32 to index
        %get3A_406 = arith.constant 48 : index
        %get3A_407 = tpu.vector_load %arg4[%get3A_405, %get3A_406] {strides = array<i32>} : memref<640x128xf32, #tpu.memory_space<vmem>>, vector<1x16xf32>,
        %get3A_408 = vector.shape_cast %get3A_407 : vector<1x16xf32> to vector<16xf32>
        %add3A_409 = arith.addf %add3A_353, %get3A_408 : vector<16xf32>
        %add3A_410 = arith.constant 1 : i32
        %add3A_411 = arith.addi %add3A_326, %add3A_410 : i32
        %get3A_412 = arith.index_cast %add3A_411 : i32 to index
        %get3A_413 = arith.constant 64 : index
        %get3A_414 = tpu.vector_load %arg4[%get3A_412, %get3A_413] {strides = array<i32>} : memref<640x128xf32, #tpu.memory_space<vmem>>, vector<1x16xf32>,
        %get3A_415 = vector.shape_cast %get3A_414 : vector<1x16xf32> to vector<16xf32>
        %add3A_416 = arith.addf %add3A_360, %get3A_415 : vector<16xf32>
        %add3A_417 = arith.constant 1 : i32
        %add3A_418 = arith.addi %add3A_326, %add3A_417 : i32
        %get3A_419 = arith.index_cast %add3A_418 : i32 to index
        %get3A_420 = arith.constant 80 : index
        %get3A_421 = tpu.vector_load %arg4[%get3A_419, %get3A_420] {strides = array<i32>} : memref<640x128xf32, #tpu.memory_space<vmem>>, vector<1x16xf32>,
        %get3A_422 = vector.shape_cast %get3A_421 : vector<1x16xf32> to vector<16xf32>
        %add3A_423 = arith.addf %add3A_367, %get3A_422 : vector<16xf32>
        %add3A_424 = arith.constant 1 : i32
        %add3A_425 = arith.addi %add3A_326, %add3A_424 : i32
        %get3A_426 = arith.index_cast %add3A_425 : i32 to index
        %get3A_427 = arith.constant 96 : index
        %get3A_428 = tpu.vector_load %arg4[%get3A_426, %get3A_427] {strides = array<i32>} : memref<640x128xf32, #tpu.memory_space<vmem>>, vector<1x16xf32>,
        %get3A_429 = vector.shape_cast %get3A_428 : vector<1x16xf32> to vector<16xf32>
        %add3A_430 = arith.addf %add3A_374, %get3A_429 : vector<16xf32>
        %add3A_431 = arith.constant 1 : i32
        %add3A_432 = arith.addi %add3A_326, %add3A_431 : i32
        %get3A_433 = arith.index_cast %add3A_432 : i32 to index
        %get3A_434 = arith.constant 112 : index
        %get3A_435 = tpu.vector_load %arg4[%get3A_433, %get3A_434] {strides = array<i32>} : memref<640x128xf32, #tpu.memory_space<vmem>>, vector<1x16xf32>,
        %get3A_436 = vector.shape_cast %get3A_435 : vector<1x16xf32> to vector<16xf32>
        %add3A_437 = arith.addf %add3A_381, %get3A_436 : vector<16xf32>
        %add3A_438 = arith.constant 2 : i32
        %add3A_439 = arith.addi %add3A_326, %add3A_438 : i32
        %get3A_440 = arith.index_cast %add3A_439 : i32 to index
        %get3A_441 = arith.constant 0 : index
        %get3A_442 = tpu.vector_load %arg4[%get3A_440, %get3A_441] {strides = array<i32>} : memref<640x128xf32, #tpu.memory_space<vmem>>, vector<1x16xf32>,
        %get3A_443 = vector.shape_cast %get3A_442 : vector<1x16xf32> to vector<16xf32>
        %add3A_444 = arith.addf %add3A_388, %get3A_443 : vector<16xf32>
        %add3A_445 = arith.constant 2 : i32
        %add3A_446 = arith.addi %add3A_326, %add3A_445 : i32
        %get3A_447 = arith.index_cast %add3A_446 : i32 to index
        %get3A_448 = arith.constant 16 : index
        %get3A_449 = tpu.vector_load %arg4[%get3A_447, %get3A_448] {strides = array<i32>} : memref<640x128xf32, #tpu.memory_space<vmem>>, vector<1x16xf32>,
        %get3A_450 = vector.shape_cast %get3A_449 : vector<1x16xf32> to vector<16xf32>
        %add3A_451 = arith.addf %add3A_395, %get3A_450 : vector<16xf32>
        %add3A_452 = arith.constant 2 : i32
        %add3A_453 = arith.addi %add3A_326, %add3A_452 : i32
        %get3A_454 = arith.index_cast %add3A_453 : i32 to index
        %get3A_455 = arith.constant 32 : index
        %get3A_456 = tpu.vector_load %arg4[%get3A_454, %get3A_455] {strides = array<i32>} : memref<640x128xf32, #tpu.memory_space<vmem>>, vector<1x16xf32>,
        %get3A_457 = vector.shape_cast %get3A_456 : vector<1x16xf32> to vector<16xf32>
        %add3A_458 = arith.addf %add3A_402, %get3A_457 : vector<16xf32>
        %add3A_459 = arith.constant 2 : i32
        %add3A_460 = arith.addi %add3A_326, %add3A_459 : i32
        %get3A_461 = arith.index_cast %add3A_460 : i32 to index
        %get3A_462 = arith.constant 48 : index
        %get3A_463 = tpu.vector_load %arg4[%get3A_461, %get3A_462] {strides = array<i32>} : memref<640x128xf32, #tpu.memory_space<vmem>>, vector<1x16xf32>,
        %get3A_464 = vector.shape_cast %get3A_463 : vector<1x16xf32> to vector<16xf32>
        %add3A_465 = arith.addf %add3A_409, %get3A_464 : vector<16xf32>
        %add3A_466 = arith.constant 2 : i32
        %add3A_467 = arith.addi %add3A_326, %add3A_466 : i32
        %get3A_468 = arith.index_cast %add3A_467 : i32 to index
        %get3A_469 = arith.constant 64 : index
        %get3A_470 = tpu.vector_load %arg4[%get3A_468, %get3A_469] {strides = array<i32>} : memref<640x128xf32, #tpu.memory_space<vmem>>, vector<1x16xf32>,
        %get3A_471 = vector.shape_cast %get3A_470 : vector<1x16xf32> to vector<16xf32>
        %add3A_472 = arith.addf %add3A_416, %get3A_471 : vector<16xf32>
        %add3A_473 = arith.constant 2 : i32
        %add3A_474 = arith.addi %add3A_326, %add3A_473 : i32
        %get3A_475 = arith.index_cast %add3A_474 : i32 to index
        %get3A_476 = arith.constant 80 : index
        %get3A_477 = tpu.vector_load %arg4[%get3A_475, %get3A_476] {strides = array<i32>} : memref<640x128xf32, #tpu.memory_space<vmem>>, vector<1x16xf32>,
        %get3A_478 = vector.shape_cast %get3A_477 : vector<1x16xf32> to vector<16xf32>
        %add3A_479 = arith.addf %add3A_423, %get3A_478 : vector<16xf32>
        %add3A_480 = arith.constant 2 : i32
        %add3A_481 = arith.addi %add3A_326, %add3A_480 : i32
        %get3A_482 = arith.index_cast %add3A_481 : i32 to index
        %get3A_483 = arith.constant 96 : index
        %get3A_484 = tpu.vector_load %arg4[%get3A_482, %get3A_483] {strides = array<i32>} : memref<640x128xf32, #tpu.memory_space<vmem>>, vector<1x16xf32>,
        %get3A_485 = vector.shape_cast %get3A_484 : vector<1x16xf32> to vector<16xf32>
        %add3A_486 = arith.addf %add3A_430, %get3A_485 : vector<16xf32>
        %add3A_487 = arith.constant 2 : i32
        %add3A_488 = arith.addi %add3A_326, %add3A_487 : i32
        %get3A_489 = arith.index_cast %add3A_488 : i32 to index
        %get3A_490 = arith.constant 112 : index
        %get3A_491 = tpu.vector_load %arg4[%get3A_489, %get3A_490] {strides = array<i32>} : memref<640x128xf32, #tpu.memory_space<vmem>>, vector<1x16xf32>,
        %get3A_492 = vector.shape_cast %get3A_491 : vector<1x16xf32> to vector<16xf32>
        %add3A_493 = arith.addf %add3A_437, %get3A_492 : vector<16xf32>
        %add3A_494 = arith.constant 3 : i32
        %add3A_495 = arith.addi %add3A_326, %add3A_494 : i32
        %get3A_496 = arith.index_cast %add3A_495 : i32 to index
        %get3A_497 = arith.constant 0 : index
        %get3A_498 = tpu.vector_load %arg4[%get3A_496, %get3A_497] {strides = array<i32>} : memref<640x128xf32, #tpu.memory_space<vmem>>, vector<1x16xf32>,
        %get3A_499 = vector.shape_cast %get3A_498 : vector<1x16xf32> to vector<16xf32>
        %add3A_500 = arith.addf %add3A_444, %get3A_499 : vector<16xf32>
        %add3A_501 = arith.constant 3 : i32
        %add3A_502 = arith.addi %add3A_326, %add3A_501 : i32
        %get3A_503 = arith.index_cast %add3A_502 : i32 to index
        %get3A_504 = arith.constant 16 : index
        %get3A_505 = tpu.vector_load %arg4[%get3A_503, %get3A_504] {strides = array<i32>} : memref<640x128xf32, #tpu.memory_space<vmem>>, vector<1x16xf32>,
        %get3A_506 = vector.shape_cast %get3A_505 : vector<1x16xf32> to vector<16xf32>
        %add3A_507 = arith.addf %add3A_451, %get3A_506 : vector<16xf32>
        %add3A_508 = arith.constant 3 : i32
        %add3A_509 = arith.addi %add3A_326, %add3A_508 : i32
        %get3A_510 = arith.index_cast %add3A_509 : i32 to index
        %get3A_511 = arith.constant 32 : index
        %get3A_512 = tpu.vector_load %arg4[%get3A_510, %get3A_511] {strides = array<i32>} : memref<640x128xf32, #tpu.memory_space<vmem>>, vector<1x16xf32>,
        %get3A_513 = vector.shape_cast %get3A_512 : vector<1x16xf32> to vector<16xf32>
        %add3A_514 = arith.addf %add3A_458, %get3A_513 : vector<16xf32>
        %add3A_515 = arith.constant 3 : i32
        %add3A_516 = arith.addi %add3A_326, %add3A_515 : i32
        %get3A_517 = arith.index_cast %add3A_516 : i32 to index
        %get3A_518 = arith.constant 48 : index
        %get3A_519 = tpu.vector_load %arg4[%get3A_517, %get3A_518] {strides = array<i32>} : memref<640x128xf32, #tpu.memory_space<vmem>>, vector<1x16xf32>,
        %get3A_520 = vector.shape_cast %get3A_519 : vector<1x16xf32> to vector<16xf32>
        %add3A_521 = arith.addf %add3A_465, %get3A_520 : vector<16xf32>
        %add3A_522 = arith.constant 3 : i32
        %add3A_523 = arith.addi %add3A_326, %add3A_522 : i32
        %get3A_524 = arith.index_cast %add3A_523 : i32 to index
        %get3A_525 = arith.constant 64 : index
        %get3A_526 = tpu.vector_load %arg4[%get3A_524, %get3A_525] {strides = array<i32>} : memref<640x128xf32, #tpu.memory_space<vmem>>, vector<1x16xf32>,
        %get3A_527 = vector.shape_cast %get3A_526 : vector<1x16xf32> to vector<16xf32>
        %add3A_528 = arith.addf %add3A_472, %get3A_527 : vector<16xf32>
        %add3A_529 = arith.constant 3 : i32
        %add3A_530 = arith.addi %add3A_326, %add3A_529 : i32
        %get3A_531 = arith.index_cast %add3A_530 : i32 to index
        %get3A_532 = arith.constant 80 : index
        %get3A_533 = tpu.vector_load %arg4[%get3A_531, %get3A_532] {strides = array<i32>} : memref<640x128xf32, #tpu.memory_space<vmem>>, vector<1x16xf32>,
        %get3A_534 = vector.shape_cast %get3A_533 : vector<1x16xf32> to vector<16xf32>
        %add3A_535 = arith.addf %add3A_479, %get3A_534 : vector<16xf32>
        %add3A_536 = arith.constant 3 : i32
        %add3A_537 = arith.addi %add3A_326, %add3A_536 : i32
        %get3A_538 = arith.index_cast %add3A_537 : i32 to index
        %get3A_539 = arith.constant 96 : index
        %get3A_540 = tpu.vector_load %arg4[%get3A_538, %get3A_539] {strides = array<i32>} : memref<640x128xf32, #tpu.memory_space<vmem>>, vector<1x16xf32>,
        %get3A_541 = vector.shape_cast %get3A_540 : vector<1x16xf32> to vector<16xf32>
        %add3A_542 = arith.addf %add3A_486, %get3A_541 : vector<16xf32>
        %add3A_543 = arith.constant 3 : i32
        %add3A_544 = arith.addi %add3A_326, %add3A_543 : i32
        %get3A_545 = arith.index_cast %add3A_544 : i32 to index
        %get3A_546 = arith.constant 112 : index
        %get3A_547 = tpu.vector_load %arg4[%get3A_545, %get3A_546] {strides = array<i32>} : memref<640x128xf32, #tpu.memory_space<vmem>>, vector<1x16xf32>,
        %get3A_548 = vector.shape_cast %get3A_547 : vector<1x16xf32> to vector<16xf32>
        %add3A_549 = arith.addf %add3A_493, %get3A_548 : vector<16xf32>
        scf.yield %add3A_500, %add3A_507, %add3A_514, %add3A_521, %add3A_528, %add3A_535, %add3A_542, %add3A_549 : vector<16xf32>, vector<16xf32>, vector<16xf32>, vector<16xf32>, vector<16xf32>, vector<16xf32>, vector<16xf32>, vector<16xf32>
      }
      %scan3A_306 = arith.constant 80 : i32
      %add3A_307 = arith.constant 2 : i32
      %add3A_308 = arith.addi %add3A_286, %add3A_307 : i32
      %lt3A_309 = arith.constant 4 : i32
      %lt3A_310 = arith.cmpi slt, %add3A_308, %lt3A_309 : i32
      %convert_element_type3A_311 = arith.extui %lt3A_310 : i1 to i32
      %cond3A_312 = arith.constant 0 : i32
      %cond3A_313 = arith.cmpi ne, %convert_element_type3A_311, %cond3A_312 : i32
      scf.if %cond3A_313 {
        %add3A_314 = arith.constant 2 : i32
        %add3A_315 = arith.addi %add3A_286, %add3A_314 : i32
        %mul3A_316 = arith.constant 320 : i32
        %mul3A_317 = arith.muli %add3A_315, %mul3A_316 : i32
        %dma_start3A_318 = arith.constant 320 : i32
        %dma_start3A_319 = arith.constant 0 : i32
        %dma_start3A_320 = tpu.memref_slice %arg4[%dma_start3A_318, %dma_start3A_319] : memref<640x128xf32, #tpu.memory_space<vmem>> -> memref<320x128xf32, #tpu.memory_space<vmem>>
        %dma_start3A_321 = arith.constant 0 : i32
        %dma_start3A_322 = tpu.memref_slice %arg2[%add3A_124, %mul3A_317, %dma_start3A_321] : memref<64x4096x128xf32, #tpu.memory_space<hbm>> -> memref<1x320x128xf32, #tpu.memory_space<hbm>>
        %dma_start3A_323 = tpu.memref_squeeze %dma_start3A_322 : memref<1x320x128xf32, #tpu.memory_space<hbm>> -> memref<320x128xf32, #tpu.memory_space<hbm>>
        %dma_start3A_324 = arith.constant 320 : i32
        %dma_start3A_325 = arith.constant 0 : i32
        %dma_start3A_326 = tpu.memref_slice %arg4[%dma_start3A_324, %dma_start3A_325] : memref<640x128xf32, #tpu.memory_space<vmem>> -> memref<320x128xf32, #tpu.memory_space<vmem>>
        %dma_start3A_327 = arith.constant 0 : i32
        %dma_start3A_328 = tpu.memref_slice %arg2[%add3A_124, %mul3A_317, %dma_start3A_327] : memref<64x4096x128xf32, #tpu.memory_space<hbm>> -> memref<1x320x128xf32, #tpu.memory_space<hbm>>
        %dma_start3A_329 = tpu.memref_squeeze %dma_start3A_328 : memref<1x320x128xf32, #tpu.memory_space<hbm>> -> memref<320x128xf32, #tpu.memory_space<hbm>>
        tpu.enqueue_dma source(%dma_start3A_329 : memref<320x128xf32, #tpu.memory_space<hbm>>) target(%dma_start3A_326 : memref<320x128xf32, #tpu.memory_space<vmem>>) target_semaphore(%arg7 : memref<!tpu.dma_semaphore, #tpu.memory_space<semaphore_mem>>)
      } else {
      }
      scf.yield %scan3A_305#0, %scan3A_305#1, %scan3A_305#2, %scan3A_305#3, %scan3A_305#4, %scan3A_305#5, %scan3A_305#6, %scan3A_305#7 : vector<16xf32>, vector<16xf32>, vector<16xf32>, vector<16xf32>, vector<16xf32>, vector<16xf32>, vector<16xf32>, vector<16xf32>
    }
    %scan3A_174 = arith.constant 2 : i32
    %mul3A_175 = arith.constant 7.812500e-03 : f32
    %mul3A_176 = vector.broadcast %mul3A_175 : f32 to vector<16xf32>
    %mul3A_177 = arith.mulf %scan3A_173#0, %mul3A_176 : vector<16xf32>
    %swap3A_178 = arith.constant 1 : i32
    %swap3A_179 = arith.index_cast %swap3A_178 : i32 to index
    %swap3A_180 = arith.constant 0 : index
    %swap3A_181 = tpu.vector_load %arg5[%swap3A_179, %swap3A_180] {strides = array<i32>} : memref<2x128xf32, #tpu.memory_space<vmem>>, vector<1x16xf32>,
    %swap3A_182 = vector.shape_cast %swap3A_181 : vector<1x16xf32> to vector<16xf32>
    %swap3A_183 = vector.shape_cast %mul3A_177 : vector<16xf32> to vector<1x16xf32>
    tpu.vector_store %arg5[%swap3A_179, %swap3A_180], %swap3A_183 {strides = array<i32>} : memref<2x128xf32, #tpu.memory_space<vmem>>, vector<1x16xf32>,
    %mul3A_184 = arith.constant 7.812500e-03 : f32
    %mul3A_185 = vector.broadcast %mul3A_184 : f32 to vector<16xf32>
    %mul3A_186 = arith.mulf %scan3A_173#1, %mul3A_185 : vector<16xf32>
    %swap3A_187 = arith.constant 1 : i32
    %swap3A_188 = arith.index_cast %swap3A_187 : i32 to index
    %swap3A_189 = arith.constant 16 : index
    %swap3A_190 = tpu.vector_load %arg5[%swap3A_188, %swap3A_189] {strides = array<i32>} : memref<2x128xf32, #tpu.memory_space<vmem>>, vector<1x16xf32>,
    %swap3A_191 = vector.shape_cast %swap3A_190 : vector<1x16xf32> to vector<16xf32>
    %swap3A_192 = vector.shape_cast %mul3A_186 : vector<16xf32> to vector<1x16xf32>
    tpu.vector_store %arg5[%swap3A_188, %swap3A_189], %swap3A_192 {strides = array<i32>} : memref<2x128xf32, #tpu.memory_space<vmem>>, vector<1x16xf32>,
    %mul3A_193 = arith.constant 7.812500e-03 : f32
    %mul3A_194 = vector.broadcast %mul3A_193 : f32 to vector<16xf32>
    %mul3A_195 = arith.mulf %scan3A_173#2, %mul3A_194 : vector<16xf32>
    %swap3A_196 = arith.constant 1 : i32
    %swap3A_197 = arith.index_cast %swap3A_196 : i32 to index
    %swap3A_198 = arith.constant 32 : index
    %swap3A_199 = tpu.vector_load %arg5[%swap3A_197, %swap3A_198] {strides = array<i32>} : memref<2x128xf32, #tpu.memory_space<vmem>>, vector<1x16xf32>,
    %swap3A_200 = vector.shape_cast %swap3A_199 : vector<1x16xf32> to vector<16xf32>
    %swap3A_201 = vector.shape_cast %mul3A_195 : vector<16xf32> to vector<1x16xf32>
    tpu.vector_store %arg5[%swap3A_197, %swap3A_198], %swap3A_201 {strides = array<i32>} : memref<2x128xf32, #tpu.memory_space<vmem>>, vector<1x16xf32>,
    %mul3A_202 = arith.constant 7.812500e-03 : f32
    %mul3A_203 = vector.broadcast %mul3A_202 : f32 to vector<16xf32>
    %mul3A_204 = arith.mulf %scan3A_173#3, %mul3A_203 : vector<16xf32>
    %swap3A_205 = arith.constant 1 : i32
    %swap3A_206 = arith.index_cast %swap3A_205 : i32 to index
    %swap3A_207 = arith.constant 48 : index
    %swap3A_208 = tpu.vector_load %arg5[%swap3A_206, %swap3A_207] {strides = array<i32>} : memref<2x128xf32, #tpu.memory_space<vmem>>, vector<1x16xf32>,
    %swap3A_209 = vector.shape_cast %swap3A_208 : vector<1x16xf32> to vector<16xf32>
    %swap3A_210 = vector.shape_cast %mul3A_204 : vector<16xf32> to vector<1x16xf32>
    tpu.vector_store %arg5[%swap3A_206, %swap3A_207], %swap3A_210 {strides = array<i32>} : memref<2x128xf32, #tpu.memory_space<vmem>>, vector<1x16xf32>,
    %mul3A_211 = arith.constant 7.812500e-03 : f32
    %mul3A_212 = vector.broadcast %mul3A_211 : f32 to vector<16xf32>
    %mul3A_213 = arith.mulf %scan3A_173#4, %mul3A_212 : vector<16xf32>
    %swap3A_214 = arith.constant 1 : i32
    %swap3A_215 = arith.index_cast %swap3A_214 : i32 to index
    %swap3A_216 = arith.constant 64 : index
    %swap3A_217 = tpu.vector_load %arg5[%swap3A_215, %swap3A_216] {strides = array<i32>} : memref<2x128xf32, #tpu.memory_space<vmem>>, vector<1x16xf32>,
    %swap3A_218 = vector.shape_cast %swap3A_217 : vector<1x16xf32> to vector<16xf32>
    %swap3A_219 = vector.shape_cast %mul3A_213 : vector<16xf32> to vector<1x16xf32>
    tpu.vector_store %arg5[%swap3A_215, %swap3A_216], %swap3A_219 {strides = array<i32>} : memref<2x128xf32, #tpu.memory_space<vmem>>, vector<1x16xf32>,
    %mul3A_220 = arith.constant 7.812500e-03 : f32
    %mul3A_221 = vector.broadcast %mul3A_220 : f32 to vector<16xf32>
    %mul3A_222 = arith.mulf %scan3A_173#5, %mul3A_221 : vector<16xf32>
    %swap3A_223 = arith.constant 1 : i32
    %swap3A_224 = arith.index_cast %swap3A_223 : i32 to index
    %swap3A_225 = arith.constant 80 : index
    %swap3A_226 = tpu.vector_load %arg5[%swap3A_224, %swap3A_225] {strides = array<i32>} : memref<2x128xf32, #tpu.memory_space<vmem>>, vector<1x16xf32>,
    %swap3A_227 = vector.shape_cast %swap3A_226 : vector<1x16xf32> to vector<16xf32>
    %swap3A_228 = vector.shape_cast %mul3A_222 : vector<16xf32> to vector<1x16xf32>
    tpu.vector_store %arg5[%swap3A_224, %swap3A_225], %swap3A_228 {strides = array<i32>} : memref<2x128xf32, #tpu.memory_space<vmem>>, vector<1x16xf32>,
    %mul3A_229 = arith.constant 7.812500e-03 : f32
    %mul3A_230 = vector.broadcast %mul3A_229 : f32 to vector<16xf32>
    %mul3A_231 = arith.mulf %scan3A_173#6, %mul3A_230 : vector<16xf32>
    %swap3A_232 = arith.constant 1 : i32
    %swap3A_233 = arith.index_cast %swap3A_232 : i32 to index
    %swap3A_234 = arith.constant 96 : index
    %swap3A_235 = tpu.vector_load %arg5[%swap3A_233, %swap3A_234] {strides = array<i32>} : memref<2x128xf32, #tpu.memory_space<vmem>>, vector<1x16xf32>,
    %swap3A_236 = vector.shape_cast %swap3A_235 : vector<1x16xf32> to vector<16xf32>
    %swap3A_237 = vector.shape_cast %mul3A_231 : vector<16xf32> to vector<1x16xf32>
    tpu.vector_store %arg5[%swap3A_233, %swap3A_234], %swap3A_237 {strides = array<i32>} : memref<2x128xf32, #tpu.memory_space<vmem>>, vector<1x16xf32>,
    %mul3A_238 = arith.constant 7.812500e-03 : f32
    %mul3A_239 = vector.broadcast %mul3A_238 : f32 to vector<16xf32>
    %mul3A_240 = arith.mulf %scan3A_173#7, %mul3A_239 : vector<16xf32>
    %swap3A_241 = arith.constant 1 : i32
    %swap3A_242 = arith.index_cast %swap3A_241 : i32 to index
    %swap3A_243 = arith.constant 112 : index
    %swap3A_244 = tpu.vector_load %arg5[%swap3A_242, %swap3A_243] {strides = array<i32>} : memref<2x128xf32, #tpu.memory_space<vmem>>, vector<1x16xf32>,
    %swap3A_245 = vector.shape_cast %swap3A_244 : vector<1x16xf32> to vector<16xf32>
    %swap3A_246 = vector.shape_cast %mul3A_240 : vector<16xf32> to vector<1x16xf32>
    tpu.vector_store %arg5[%swap3A_242, %swap3A_243], %swap3A_246 {strides = array<i32>} : memref<2x128xf32, #tpu.memory_space<vmem>>, vector<1x16xf32>,
    "tpu.region"() ({
      %run_scoped3A = tpu.sem_alloc : memref<!tpu.dma_semaphore, #tpu.memory_space<semaphore_mem>>
      %dma_start3A_247 = arith.constant 0 : i32
      %dma_start3A_248 = tpu.memref_slice %arg3[%mul3A_2, %dma_start3A_247] : memref<64x128xf32, #tpu.memory_space<hbm>> -> memref<2x128xf32, #tpu.memory_space<hbm>>
      %dma_start3A_249 = arith.constant 0 : i32
      %dma_start3A_250 = tpu.memref_slice %arg3[%mul3A_2, %dma_start3A_249] : memref<64x128xf32, #tpu.memory_space<hbm>> -> memref<2x128xf32, #tpu.memory_space<hbm>>
      tpu.enqueue_dma source(%arg5 : memref<2x128xf32, #tpu.memory_space<vmem>>) target(%dma_start3A_250 : memref<2x128xf32, #tpu.memory_space<hbm>>) target_semaphore(%run_scoped3A : memref<!tpu.dma_semaphore, #tpu.memory_space<semaphore_mem>>)
      %dma_wait3A = arith.constant 0 : i32
      %dma_wait3A_251 = tpu.memref_slice %arg3[%mul3A_2, %dma_wait3A] : memref<64x128xf32, #tpu.memory_space<hbm>> -> memref<2x128xf32, #tpu.memory_space<hbm>>
      %dma_wait3A_252 = arith.constant 0 : i32
      %dma_wait3A_253 = tpu.memref_slice %arg3[%mul3A_2, %dma_wait3A_252] : memref<64x128xf32, #tpu.memory_space<hbm>> -> memref<2x128xf32, #tpu.memory_space<hbm>>
      tpu.wait_dma2 semaphore(%run_scoped3A : memref<!tpu.dma_semaphore, #tpu.memory_space<semaphore_mem>>) src(%arg5 : memref<2x128xf32, #tpu.memory_space<vmem>>) dst(%dma_wait3A_253 : memref<2x128xf32, #tpu.memory_space<hbm>>)
      tpu.yield
    }) : () -> ()
    return
  }
}

module attributes {stable_mosaic.version = 14 : i64} {
  func.func @_tc_body(%arg0: memref<64x4096x128xf32, #tpu.memory_space<any>>, %arg1: memref<64x128xf32, #tpu.memory_space<vmem>>, %arg2: memref<4x2816x128xf32, #tpu.memory_space<vmem>>, %arg3: memref<4x!tpu.dma_semaphore, #tpu.memory_space<semaphore_mem>>) attributes {dimension_semantics = [], scalar_prefetch = 0 : i64, scratch_operands = 2 : i64, tpu.core_type = #tpu.core_type<tc>} {
    %dma_start3A = arith.constant 0 : i32
    %dma_start3A_0 = arith.constant 0 : i32
    %dma_start3A_1 = arith.constant 0 : i32
    %dma_start3A_2 = tpu.memref_slice %arg3[%dma_start3A_1] : memref<4x!tpu.dma_semaphore, #tpu.memory_space<semaphore_mem>> -> memref<1x!tpu.dma_semaphore, #tpu.memory_space<semaphore_mem>>
    %dma_start3A_3 = tpu.memref_squeeze %dma_start3A_2 : memref<1x!tpu.dma_semaphore, #tpu.memory_space<semaphore_mem>> -> memref<!tpu.dma_semaphore, #tpu.memory_space<semaphore_mem>>
    %dma_start3A_4 = arith.constant 0 : i32
    %dma_start3A_5 = arith.constant 0 : i32
    %dma_start3A_6 = tpu.memref_slice %arg2[%dma_start3A_0, %dma_start3A_4, %dma_start3A_5] : memref<4x2816x128xf32, #tpu.memory_space<vmem>> -> memref<1x2816x128xf32, #tpu.memory_space<vmem>>
    %dma_start3A_7 = tpu.memref_squeeze %dma_start3A_6 : memref<1x2816x128xf32, #tpu.memory_space<vmem>> -> memref<2816x128xf32, #tpu.memory_space<vmem>>
    %dma_start3A_8 = arith.constant 1280 : i32
    %dma_start3A_9 = arith.constant 0 : i32
    %dma_start3A_10 = tpu.memref_slice %arg0[%dma_start3A, %dma_start3A_8, %dma_start3A_9] : memref<64x4096x128xf32, #tpu.memory_space<any>> -> memref<1x2816x128xf32, #tpu.memory_space<any>>
    %dma_start3A_11 = tpu.memref_squeeze %dma_start3A_10 : memref<1x2816x128xf32, #tpu.memory_space<any>> -> memref<2816x128xf32, #tpu.memory_space<any>>
    tpu.enqueue_dma source(%dma_start3A_11 : memref<2816x128xf32, #tpu.memory_space<any>>) target(%dma_start3A_7 : memref<2816x128xf32, #tpu.memory_space<vmem>>) target_semaphore(%dma_start3A_3 : memref<!tpu.dma_semaphore, #tpu.memory_space<semaphore_mem>>)
    %dma_start3A_12 = arith.constant 1 : i32
    %dma_start3A_13 = arith.constant 1 : i32
    %dma_start3A_14 = arith.constant 1 : i32
    %dma_start3A_15 = tpu.memref_slice %arg3[%dma_start3A_14] : memref<4x!tpu.dma_semaphore, #tpu.memory_space<semaphore_mem>> -> memref<1x!tpu.dma_semaphore, #tpu.memory_space<semaphore_mem>>
    %dma_start3A_16 = tpu.memref_squeeze %dma_start3A_15 : memref<1x!tpu.dma_semaphore, #tpu.memory_space<semaphore_mem>> -> memref<!tpu.dma_semaphore, #tpu.memory_space<semaphore_mem>>
    %dma_start3A_17 = arith.constant 0 : i32
    %dma_start3A_18 = arith.constant 0 : i32
    %dma_start3A_19 = tpu.memref_slice %arg2[%dma_start3A_13, %dma_start3A_17, %dma_start3A_18] : memref<4x2816x128xf32, #tpu.memory_space<vmem>> -> memref<1x2816x128xf32, #tpu.memory_space<vmem>>
    %dma_start3A_20 = tpu.memref_squeeze %dma_start3A_19 : memref<1x2816x128xf32, #tpu.memory_space<vmem>> -> memref<2816x128xf32, #tpu.memory_space<vmem>>
    %dma_start3A_21 = arith.constant 1280 : i32
    %dma_start3A_22 = arith.constant 0 : i32
    %dma_start3A_23 = tpu.memref_slice %arg0[%dma_start3A_12, %dma_start3A_21, %dma_start3A_22] : memref<64x4096x128xf32, #tpu.memory_space<any>> -> memref<1x2816x128xf32, #tpu.memory_space<any>>
    %dma_start3A_24 = tpu.memref_squeeze %dma_start3A_23 : memref<1x2816x128xf32, #tpu.memory_space<any>> -> memref<2816x128xf32, #tpu.memory_space<any>>
    tpu.enqueue_dma source(%dma_start3A_24 : memref<2816x128xf32, #tpu.memory_space<any>>) target(%dma_start3A_20 : memref<2816x128xf32, #tpu.memory_space<vmem>>) target_semaphore(%dma_start3A_16 : memref<!tpu.dma_semaphore, #tpu.memory_space<semaphore_mem>>)
    %dma_start3A_25 = arith.constant 2 : i32
    %dma_start3A_26 = arith.constant 2 : i32
    %dma_start3A_27 = arith.constant 2 : i32
    %dma_start3A_28 = tpu.memref_slice %arg3[%dma_start3A_27] : memref<4x!tpu.dma_semaphore, #tpu.memory_space<semaphore_mem>> -> memref<1x!tpu.dma_semaphore, #tpu.memory_space<semaphore_mem>>
    %dma_start3A_29 = tpu.memref_squeeze %dma_start3A_28 : memref<1x!tpu.dma_semaphore, #tpu.memory_space<semaphore_mem>> -> memref<!tpu.dma_semaphore, #tpu.memory_space<semaphore_mem>>
    %dma_start3A_30 = arith.constant 0 : i32
    %dma_start3A_31 = arith.constant 0 : i32
    %dma_start3A_32 = tpu.memref_slice %arg2[%dma_start3A_26, %dma_start3A_30, %dma_start3A_31] : memref<4x2816x128xf32, #tpu.memory_space<vmem>> -> memref<1x2816x128xf32, #tpu.memory_space<vmem>>
    %dma_start3A_33 = tpu.memref_squeeze %dma_start3A_32 : memref<1x2816x128xf32, #tpu.memory_space<vmem>> -> memref<2816x128xf32, #tpu.memory_space<vmem>>
    %dma_start3A_34 = arith.constant 1280 : i32
    %dma_start3A_35 = arith.constant 0 : i32
    %dma_start3A_36 = tpu.memref_slice %arg0[%dma_start3A_25, %dma_start3A_34, %dma_start3A_35] : memref<64x4096x128xf32, #tpu.memory_space<any>> -> memref<1x2816x128xf32, #tpu.memory_space<any>>
    %dma_start3A_37 = tpu.memref_squeeze %dma_start3A_36 : memref<1x2816x128xf32, #tpu.memory_space<any>> -> memref<2816x128xf32, #tpu.memory_space<any>>
    tpu.enqueue_dma source(%dma_start3A_37 : memref<2816x128xf32, #tpu.memory_space<any>>) target(%dma_start3A_33 : memref<2816x128xf32, #tpu.memory_space<vmem>>) target_semaphore(%dma_start3A_29 : memref<!tpu.dma_semaphore, #tpu.memory_space<semaphore_mem>>)
    %dma_start3A_38 = arith.constant 3 : i32
    %dma_start3A_39 = arith.constant 3 : i32
    %dma_start3A_40 = arith.constant 3 : i32
    %dma_start3A_41 = tpu.memref_slice %arg3[%dma_start3A_40] : memref<4x!tpu.dma_semaphore, #tpu.memory_space<semaphore_mem>> -> memref<1x!tpu.dma_semaphore, #tpu.memory_space<semaphore_mem>>
    %dma_start3A_42 = tpu.memref_squeeze %dma_start3A_41 : memref<1x!tpu.dma_semaphore, #tpu.memory_space<semaphore_mem>> -> memref<!tpu.dma_semaphore, #tpu.memory_space<semaphore_mem>>
    %dma_start3A_43 = arith.constant 0 : i32
    %dma_start3A_44 = arith.constant 0 : i32
    %dma_start3A_45 = tpu.memref_slice %arg2[%dma_start3A_39, %dma_start3A_43, %dma_start3A_44] : memref<4x2816x128xf32, #tpu.memory_space<vmem>> -> memref<1x2816x128xf32, #tpu.memory_space<vmem>>
    %dma_start3A_46 = tpu.memref_squeeze %dma_start3A_45 : memref<1x2816x128xf32, #tpu.memory_space<vmem>> -> memref<2816x128xf32, #tpu.memory_space<vmem>>
    %dma_start3A_47 = arith.constant 1280 : i32
    %dma_start3A_48 = arith.constant 0 : i32
    %dma_start3A_49 = tpu.memref_slice %arg0[%dma_start3A_38, %dma_start3A_47, %dma_start3A_48] : memref<64x4096x128xf32, #tpu.memory_space<any>> -> memref<1x2816x128xf32, #tpu.memory_space<any>>
    %dma_start3A_50 = tpu.memref_squeeze %dma_start3A_49 : memref<1x2816x128xf32, #tpu.memory_space<any>> -> memref<2816x128xf32, #tpu.memory_space<any>>
    tpu.enqueue_dma source(%dma_start3A_50 : memref<2816x128xf32, #tpu.memory_space<any>>) target(%dma_start3A_46 : memref<2816x128xf32, #tpu.memory_space<vmem>>) target_semaphore(%dma_start3A_42 : memref<!tpu.dma_semaphore, #tpu.memory_space<semaphore_mem>>)
    %scan3A = arith.constant 0 : i32
    %scan3A_51 = arith.constant 16 : i32
    %scan3A_52 = arith.addi %scan3A, %scan3A_51 : i32
    %scan3A_53 = arith.constant 1 : i32
    scf.for %scan3A_55 = %scan3A to %scan3A_52 step %scan3A_53  : i32 {
      %mul3A = arith.constant 4 : i32
      %mul3A_56 = arith.muli %mul3A, %scan3A_55 : i32
      %add3A = arith.constant 0 : i32
      %add3A_57 = arith.addi %mul3A_56, %add3A : i32
      %dma_wait3A = arith.constant 0 : i32
      %dma_wait3A_58 = arith.constant 0 : i32
      %dma_wait3A_59 = tpu.memref_slice %arg3[%dma_wait3A_58] : memref<4x!tpu.dma_semaphore, #tpu.memory_space<semaphore_mem>> -> memref<1x!tpu.dma_semaphore, #tpu.memory_space<semaphore_mem>>
      %dma_wait3A_60 = tpu.memref_squeeze %dma_wait3A_59 : memref<1x!tpu.dma_semaphore, #tpu.memory_space<semaphore_mem>> -> memref<!tpu.dma_semaphore, #tpu.memory_space<semaphore_mem>>
      %dma_wait3A_61 = arith.constant 0 : i32
      %dma_wait3A_62 = arith.constant 0 : i32
      %dma_wait3A_63 = tpu.memref_slice %arg2[%dma_wait3A, %dma_wait3A_61, %dma_wait3A_62] : memref<4x2816x128xf32, #tpu.memory_space<vmem>> -> memref<1x2816x128xf32, #tpu.memory_space<vmem>>
      %dma_wait3A_64 = tpu.memref_squeeze %dma_wait3A_63 : memref<1x2816x128xf32, #tpu.memory_space<vmem>> -> memref<2816x128xf32, #tpu.memory_space<vmem>>
      %dma_wait3A_65 = arith.constant 1280 : i32
      %dma_wait3A_66 = arith.constant 0 : i32
      %dma_wait3A_67 = tpu.memref_slice %arg0[%add3A_57, %dma_wait3A_65, %dma_wait3A_66] : memref<64x4096x128xf32, #tpu.memory_space<any>> -> memref<1x2816x128xf32, #tpu.memory_space<any>>
      %dma_wait3A_68 = tpu.memref_squeeze %dma_wait3A_67 : memref<1x2816x128xf32, #tpu.memory_space<any>> -> memref<2816x128xf32, #tpu.memory_space<any>>
      tpu.wait_dma2 semaphore(%dma_wait3A_60 : memref<!tpu.dma_semaphore, #tpu.memory_space<semaphore_mem>>) src(%dma_wait3A_68 : memref<2816x128xf32, #tpu.memory_space<any>>) dst(%dma_wait3A_64 : memref<2816x128xf32, #tpu.memory_space<vmem>>)
      %get3A = arith.constant 0 : index
      %get3A_69 = arith.constant 0 : index
      %get3A_70 = arith.constant 0 : index
      %get3A_71 = vector.load %arg2[%get3A, %get3A_69, %get3A_70] : memref<4x2816x128xf32, #tpu.memory_space<vmem>>, vector<1x2816x128xf32>
      %get3A_72 = vector.shape_cast %get3A_71 : vector<1x2816x128xf32> to vector<2816x128xf32>
      %reduce_sum3A = arith.constant dense<0.000000e+00> : vector<128xf32>
      %reduce_sum3A_73 = vector.multi_reduction <add>, %get3A_72, %reduce_sum3A [0] : vector<2816x128xf32> to vector<128xf32>
      %broadcast_in_dim3A = vector.shape_cast %reduce_sum3A_73 : vector<128xf32> to vector<1x128xf32>
      %mul3A_74 = arith.constant 7.812500e-03 : f32
      %mul3A_75 = vector.broadcast %mul3A_74 : f32 to vector<1x128xf32>
      %mul3A_76 = arith.mulf %broadcast_in_dim3A, %mul3A_75 : vector<1x128xf32>
      %swap3A = arith.index_cast %add3A_57 : i32 to index
      %swap3A_77 = arith.constant 0 : index
      %swap3A_78 = vector.load %arg1[%swap3A, %swap3A_77] : memref<64x128xf32, #tpu.memory_space<vmem>>, vector<1x128xf32>
      tpu.vector_store %arg1[%swap3A, %swap3A_77], %mul3A_76 {strides = array<i32>} : memref<64x128xf32, #tpu.memory_space<vmem>>, vector<1x128xf32>,
      %add3A_79 = arith.constant 4 : i32
      %add3A_80 = arith.addi %add3A_57, %add3A_79 : i32
      %lt3A = arith.constant 64 : i32
      %lt3A_81 = arith.cmpi slt, %add3A_80, %lt3A : i32
      %convert_element_type3A = arith.extui %lt3A_81 : i1 to i32
      %cond3A = arith.constant 0 : i32
      %cond3A_82 = arith.cmpi ne, %convert_element_type3A, %cond3A : i32
      scf.if %cond3A_82 {
        %add3A_194 = arith.constant 4 : i32
        %add3A_195 = arith.addi %add3A_57, %add3A_194 : i32
        %dma_start3A_196 = arith.constant 0 : i32
        %dma_start3A_197 = arith.constant 0 : i32
        %dma_start3A_198 = tpu.memref_slice %arg3[%dma_start3A_197] : memref<4x!tpu.dma_semaphore, #tpu.memory_space<semaphore_mem>> -> memref<1x!tpu.dma_semaphore, #tpu.memory_space<semaphore_mem>>
        %dma_start3A_199 = tpu.memref_squeeze %dma_start3A_198 : memref<1x!tpu.dma_semaphore, #tpu.memory_space<semaphore_mem>> -> memref<!tpu.dma_semaphore, #tpu.memory_space<semaphore_mem>>
        %dma_start3A_200 = arith.constant 0 : i32
        %dma_start3A_201 = arith.constant 0 : i32
        %dma_start3A_202 = tpu.memref_slice %arg2[%dma_start3A_196, %dma_start3A_200, %dma_start3A_201] : memref<4x2816x128xf32, #tpu.memory_space<vmem>> -> memref<1x2816x128xf32, #tpu.memory_space<vmem>>
        %dma_start3A_203 = tpu.memref_squeeze %dma_start3A_202 : memref<1x2816x128xf32, #tpu.memory_space<vmem>> -> memref<2816x128xf32, #tpu.memory_space<vmem>>
        %dma_start3A_204 = arith.constant 1280 : i32
        %dma_start3A_205 = arith.constant 0 : i32
        %dma_start3A_206 = tpu.memref_slice %arg0[%add3A_195, %dma_start3A_204, %dma_start3A_205] : memref<64x4096x128xf32, #tpu.memory_space<any>> -> memref<1x2816x128xf32, #tpu.memory_space<any>>
        %dma_start3A_207 = tpu.memref_squeeze %dma_start3A_206 : memref<1x2816x128xf32, #tpu.memory_space<any>> -> memref<2816x128xf32, #tpu.memory_space<any>>
        tpu.enqueue_dma source(%dma_start3A_207 : memref<2816x128xf32, #tpu.memory_space<any>>) target(%dma_start3A_203 : memref<2816x128xf32, #tpu.memory_space<vmem>>) target_semaphore(%dma_start3A_199 : memref<!tpu.dma_semaphore, #tpu.memory_space<semaphore_mem>>)
      } else {
      }
      %mul3A_83 = arith.constant 4 : i32
      %mul3A_84 = arith.muli %mul3A_83, %scan3A_55 : i32
      %add3A_85 = arith.constant 1 : i32
      %add3A_86 = arith.addi %mul3A_84, %add3A_85 : i32
      %dma_wait3A_87 = arith.constant 1 : i32
      %dma_wait3A_88 = arith.constant 1 : i32
      %dma_wait3A_89 = tpu.memref_slice %arg3[%dma_wait3A_88] : memref<4x!tpu.dma_semaphore, #tpu.memory_space<semaphore_mem>> -> memref<1x!tpu.dma_semaphore, #tpu.memory_space<semaphore_mem>>
      %dma_wait3A_90 = tpu.memref_squeeze %dma_wait3A_89 : memref<1x!tpu.dma_semaphore, #tpu.memory_space<semaphore_mem>> -> memref<!tpu.dma_semaphore, #tpu.memory_space<semaphore_mem>>
      %dma_wait3A_91 = arith.constant 0 : i32
      %dma_wait3A_92 = arith.constant 0 : i32
      %dma_wait3A_93 = tpu.memref_slice %arg2[%dma_wait3A_87, %dma_wait3A_91, %dma_wait3A_92] : memref<4x2816x128xf32, #tpu.memory_space<vmem>> -> memref<1x2816x128xf32, #tpu.memory_space<vmem>>
      %dma_wait3A_94 = tpu.memref_squeeze %dma_wait3A_93 : memref<1x2816x128xf32, #tpu.memory_space<vmem>> -> memref<2816x128xf32, #tpu.memory_space<vmem>>
      %dma_wait3A_95 = arith.constant 1280 : i32
      %dma_wait3A_96 = arith.constant 0 : i32
      %dma_wait3A_97 = tpu.memref_slice %arg0[%add3A_86, %dma_wait3A_95, %dma_wait3A_96] : memref<64x4096x128xf32, #tpu.memory_space<any>> -> memref<1x2816x128xf32, #tpu.memory_space<any>>
      %dma_wait3A_98 = tpu.memref_squeeze %dma_wait3A_97 : memref<1x2816x128xf32, #tpu.memory_space<any>> -> memref<2816x128xf32, #tpu.memory_space<any>>
      tpu.wait_dma2 semaphore(%dma_wait3A_90 : memref<!tpu.dma_semaphore, #tpu.memory_space<semaphore_mem>>) src(%dma_wait3A_98 : memref<2816x128xf32, #tpu.memory_space<any>>) dst(%dma_wait3A_94 : memref<2816x128xf32, #tpu.memory_space<vmem>>)
      %get3A_99 = arith.constant 1 : index
      %get3A_100 = arith.constant 0 : index
      %get3A_101 = arith.constant 0 : index
      %get3A_102 = vector.load %arg2[%get3A_99, %get3A_100, %get3A_101] : memref<4x2816x128xf32, #tpu.memory_space<vmem>>, vector<1x2816x128xf32>
      %get3A_103 = vector.shape_cast %get3A_102 : vector<1x2816x128xf32> to vector<2816x128xf32>
      %reduce_sum3A_104 = arith.constant dense<0.000000e+00> : vector<128xf32>
      %reduce_sum3A_105 = vector.multi_reduction <add>, %get3A_103, %reduce_sum3A_104 [0] : vector<2816x128xf32> to vector<128xf32>
      %broadcast_in_dim3A_106 = vector.shape_cast %reduce_sum3A_105 : vector<128xf32> to vector<1x128xf32>
      %mul3A_107 = arith.constant 7.812500e-03 : f32
      %mul3A_108 = vector.broadcast %mul3A_107 : f32 to vector<1x128xf32>
      %mul3A_109 = arith.mulf %broadcast_in_dim3A_106, %mul3A_108 : vector<1x128xf32>
      %swap3A_110 = arith.index_cast %add3A_86 : i32 to index
      %swap3A_111 = arith.constant 0 : index
      %swap3A_112 = vector.load %arg1[%swap3A_110, %swap3A_111] : memref<64x128xf32, #tpu.memory_space<vmem>>, vector<1x128xf32>
      tpu.vector_store %arg1[%swap3A_110, %swap3A_111], %mul3A_109 {strides = array<i32>} : memref<64x128xf32, #tpu.memory_space<vmem>>, vector<1x128xf32>,
      %add3A_113 = arith.constant 4 : i32
      %add3A_114 = arith.addi %add3A_86, %add3A_113 : i32
      %lt3A_115 = arith.constant 64 : i32
      %lt3A_116 = arith.cmpi slt, %add3A_114, %lt3A_115 : i32
      %convert_element_type3A_117 = arith.extui %lt3A_116 : i1 to i32
      %cond3A_118 = arith.constant 0 : i32
      %cond3A_119 = arith.cmpi ne, %convert_element_type3A_117, %cond3A_118 : i32
      scf.if %cond3A_119 {
        %add3A_194 = arith.constant 4 : i32
        %add3A_195 = arith.addi %add3A_86, %add3A_194 : i32
        %dma_start3A_196 = arith.constant 1 : i32
        %dma_start3A_197 = arith.constant 1 : i32
        %dma_start3A_198 = tpu.memref_slice %arg3[%dma_start3A_197] : memref<4x!tpu.dma_semaphore, #tpu.memory_space<semaphore_mem>> -> memref<1x!tpu.dma_semaphore, #tpu.memory_space<semaphore_mem>>
        %dma_start3A_199 = tpu.memref_squeeze %dma_start3A_198 : memref<1x!tpu.dma_semaphore, #tpu.memory_space<semaphore_mem>> -> memref<!tpu.dma_semaphore, #tpu.memory_space<semaphore_mem>>
        %dma_start3A_200 = arith.constant 0 : i32
        %dma_start3A_201 = arith.constant 0 : i32
        %dma_start3A_202 = tpu.memref_slice %arg2[%dma_start3A_196, %dma_start3A_200, %dma_start3A_201] : memref<4x2816x128xf32, #tpu.memory_space<vmem>> -> memref<1x2816x128xf32, #tpu.memory_space<vmem>>
        %dma_start3A_203 = tpu.memref_squeeze %dma_start3A_202 : memref<1x2816x128xf32, #tpu.memory_space<vmem>> -> memref<2816x128xf32, #tpu.memory_space<vmem>>
        %dma_start3A_204 = arith.constant 1280 : i32
        %dma_start3A_205 = arith.constant 0 : i32
        %dma_start3A_206 = tpu.memref_slice %arg0[%add3A_195, %dma_start3A_204, %dma_start3A_205] : memref<64x4096x128xf32, #tpu.memory_space<any>> -> memref<1x2816x128xf32, #tpu.memory_space<any>>
        %dma_start3A_207 = tpu.memref_squeeze %dma_start3A_206 : memref<1x2816x128xf32, #tpu.memory_space<any>> -> memref<2816x128xf32, #tpu.memory_space<any>>
        tpu.enqueue_dma source(%dma_start3A_207 : memref<2816x128xf32, #tpu.memory_space<any>>) target(%dma_start3A_203 : memref<2816x128xf32, #tpu.memory_space<vmem>>) target_semaphore(%dma_start3A_199 : memref<!tpu.dma_semaphore, #tpu.memory_space<semaphore_mem>>)
      } else {
      }
      %mul3A_120 = arith.constant 4 : i32
      %mul3A_121 = arith.muli %mul3A_120, %scan3A_55 : i32
      %add3A_122 = arith.constant 2 : i32
      %add3A_123 = arith.addi %mul3A_121, %add3A_122 : i32
      %dma_wait3A_124 = arith.constant 2 : i32
      %dma_wait3A_125 = arith.constant 2 : i32
      %dma_wait3A_126 = tpu.memref_slice %arg3[%dma_wait3A_125] : memref<4x!tpu.dma_semaphore, #tpu.memory_space<semaphore_mem>> -> memref<1x!tpu.dma_semaphore, #tpu.memory_space<semaphore_mem>>
      %dma_wait3A_127 = tpu.memref_squeeze %dma_wait3A_126 : memref<1x!tpu.dma_semaphore, #tpu.memory_space<semaphore_mem>> -> memref<!tpu.dma_semaphore, #tpu.memory_space<semaphore_mem>>
      %dma_wait3A_128 = arith.constant 0 : i32
      %dma_wait3A_129 = arith.constant 0 : i32
      %dma_wait3A_130 = tpu.memref_slice %arg2[%dma_wait3A_124, %dma_wait3A_128, %dma_wait3A_129] : memref<4x2816x128xf32, #tpu.memory_space<vmem>> -> memref<1x2816x128xf32, #tpu.memory_space<vmem>>
      %dma_wait3A_131 = tpu.memref_squeeze %dma_wait3A_130 : memref<1x2816x128xf32, #tpu.memory_space<vmem>> -> memref<2816x128xf32, #tpu.memory_space<vmem>>
      %dma_wait3A_132 = arith.constant 1280 : i32
      %dma_wait3A_133 = arith.constant 0 : i32
      %dma_wait3A_134 = tpu.memref_slice %arg0[%add3A_123, %dma_wait3A_132, %dma_wait3A_133] : memref<64x4096x128xf32, #tpu.memory_space<any>> -> memref<1x2816x128xf32, #tpu.memory_space<any>>
      %dma_wait3A_135 = tpu.memref_squeeze %dma_wait3A_134 : memref<1x2816x128xf32, #tpu.memory_space<any>> -> memref<2816x128xf32, #tpu.memory_space<any>>
      tpu.wait_dma2 semaphore(%dma_wait3A_127 : memref<!tpu.dma_semaphore, #tpu.memory_space<semaphore_mem>>) src(%dma_wait3A_135 : memref<2816x128xf32, #tpu.memory_space<any>>) dst(%dma_wait3A_131 : memref<2816x128xf32, #tpu.memory_space<vmem>>)
      %get3A_136 = arith.constant 2 : index
      %get3A_137 = arith.constant 0 : index
      %get3A_138 = arith.constant 0 : index
      %get3A_139 = vector.load %arg2[%get3A_136, %get3A_137, %get3A_138] : memref<4x2816x128xf32, #tpu.memory_space<vmem>>, vector<1x2816x128xf32>
      %get3A_140 = vector.shape_cast %get3A_139 : vector<1x2816x128xf32> to vector<2816x128xf32>
      %reduce_sum3A_141 = arith.constant dense<0.000000e+00> : vector<128xf32>
      %reduce_sum3A_142 = vector.multi_reduction <add>, %get3A_140, %reduce_sum3A_141 [0] : vector<2816x128xf32> to vector<128xf32>
      %broadcast_in_dim3A_143 = vector.shape_cast %reduce_sum3A_142 : vector<128xf32> to vector<1x128xf32>
      %mul3A_144 = arith.constant 7.812500e-03 : f32
      %mul3A_145 = vector.broadcast %mul3A_144 : f32 to vector<1x128xf32>
      %mul3A_146 = arith.mulf %broadcast_in_dim3A_143, %mul3A_145 : vector<1x128xf32>
      %swap3A_147 = arith.index_cast %add3A_123 : i32 to index
      %swap3A_148 = arith.constant 0 : index
      %swap3A_149 = vector.load %arg1[%swap3A_147, %swap3A_148] : memref<64x128xf32, #tpu.memory_space<vmem>>, vector<1x128xf32>
      tpu.vector_store %arg1[%swap3A_147, %swap3A_148], %mul3A_146 {strides = array<i32>} : memref<64x128xf32, #tpu.memory_space<vmem>>, vector<1x128xf32>,
      %add3A_150 = arith.constant 4 : i32
      %add3A_151 = arith.addi %add3A_123, %add3A_150 : i32
      %lt3A_152 = arith.constant 64 : i32
      %lt3A_153 = arith.cmpi slt, %add3A_151, %lt3A_152 : i32
      %convert_element_type3A_154 = arith.extui %lt3A_153 : i1 to i32
      %cond3A_155 = arith.constant 0 : i32
      %cond3A_156 = arith.cmpi ne, %convert_element_type3A_154, %cond3A_155 : i32
      scf.if %cond3A_156 {
        %add3A_194 = arith.constant 4 : i32
        %add3A_195 = arith.addi %add3A_123, %add3A_194 : i32
        %dma_start3A_196 = arith.constant 2 : i32
        %dma_start3A_197 = arith.constant 2 : i32
        %dma_start3A_198 = tpu.memref_slice %arg3[%dma_start3A_197] : memref<4x!tpu.dma_semaphore, #tpu.memory_space<semaphore_mem>> -> memref<1x!tpu.dma_semaphore, #tpu.memory_space<semaphore_mem>>
        %dma_start3A_199 = tpu.memref_squeeze %dma_start3A_198 : memref<1x!tpu.dma_semaphore, #tpu.memory_space<semaphore_mem>> -> memref<!tpu.dma_semaphore, #tpu.memory_space<semaphore_mem>>
        %dma_start3A_200 = arith.constant 0 : i32
        %dma_start3A_201 = arith.constant 0 : i32
        %dma_start3A_202 = tpu.memref_slice %arg2[%dma_start3A_196, %dma_start3A_200, %dma_start3A_201] : memref<4x2816x128xf32, #tpu.memory_space<vmem>> -> memref<1x2816x128xf32, #tpu.memory_space<vmem>>
        %dma_start3A_203 = tpu.memref_squeeze %dma_start3A_202 : memref<1x2816x128xf32, #tpu.memory_space<vmem>> -> memref<2816x128xf32, #tpu.memory_space<vmem>>
        %dma_start3A_204 = arith.constant 1280 : i32
        %dma_start3A_205 = arith.constant 0 : i32
        %dma_start3A_206 = tpu.memref_slice %arg0[%add3A_195, %dma_start3A_204, %dma_start3A_205] : memref<64x4096x128xf32, #tpu.memory_space<any>> -> memref<1x2816x128xf32, #tpu.memory_space<any>>
        %dma_start3A_207 = tpu.memref_squeeze %dma_start3A_206 : memref<1x2816x128xf32, #tpu.memory_space<any>> -> memref<2816x128xf32, #tpu.memory_space<any>>
        tpu.enqueue_dma source(%dma_start3A_207 : memref<2816x128xf32, #tpu.memory_space<any>>) target(%dma_start3A_203 : memref<2816x128xf32, #tpu.memory_space<vmem>>) target_semaphore(%dma_start3A_199 : memref<!tpu.dma_semaphore, #tpu.memory_space<semaphore_mem>>)
      } else {
      }
      %mul3A_157 = arith.constant 4 : i32
      %mul3A_158 = arith.muli %mul3A_157, %scan3A_55 : i32
      %add3A_159 = arith.constant 3 : i32
      %add3A_160 = arith.addi %mul3A_158, %add3A_159 : i32
      %dma_wait3A_161 = arith.constant 3 : i32
      %dma_wait3A_162 = arith.constant 3 : i32
      %dma_wait3A_163 = tpu.memref_slice %arg3[%dma_wait3A_162] : memref<4x!tpu.dma_semaphore, #tpu.memory_space<semaphore_mem>> -> memref<1x!tpu.dma_semaphore, #tpu.memory_space<semaphore_mem>>
      %dma_wait3A_164 = tpu.memref_squeeze %dma_wait3A_163 : memref<1x!tpu.dma_semaphore, #tpu.memory_space<semaphore_mem>> -> memref<!tpu.dma_semaphore, #tpu.memory_space<semaphore_mem>>
      %dma_wait3A_165 = arith.constant 0 : i32
      %dma_wait3A_166 = arith.constant 0 : i32
      %dma_wait3A_167 = tpu.memref_slice %arg2[%dma_wait3A_161, %dma_wait3A_165, %dma_wait3A_166] : memref<4x2816x128xf32, #tpu.memory_space<vmem>> -> memref<1x2816x128xf32, #tpu.memory_space<vmem>>
      %dma_wait3A_168 = tpu.memref_squeeze %dma_wait3A_167 : memref<1x2816x128xf32, #tpu.memory_space<vmem>> -> memref<2816x128xf32, #tpu.memory_space<vmem>>
      %dma_wait3A_169 = arith.constant 1280 : i32
      %dma_wait3A_170 = arith.constant 0 : i32
      %dma_wait3A_171 = tpu.memref_slice %arg0[%add3A_160, %dma_wait3A_169, %dma_wait3A_170] : memref<64x4096x128xf32, #tpu.memory_space<any>> -> memref<1x2816x128xf32, #tpu.memory_space<any>>
      %dma_wait3A_172 = tpu.memref_squeeze %dma_wait3A_171 : memref<1x2816x128xf32, #tpu.memory_space<any>> -> memref<2816x128xf32, #tpu.memory_space<any>>
      tpu.wait_dma2 semaphore(%dma_wait3A_164 : memref<!tpu.dma_semaphore, #tpu.memory_space<semaphore_mem>>) src(%dma_wait3A_172 : memref<2816x128xf32, #tpu.memory_space<any>>) dst(%dma_wait3A_168 : memref<2816x128xf32, #tpu.memory_space<vmem>>)
      %get3A_173 = arith.constant 3 : index
      %get3A_174 = arith.constant 0 : index
      %get3A_175 = arith.constant 0 : index
      %get3A_176 = vector.load %arg2[%get3A_173, %get3A_174, %get3A_175] : memref<4x2816x128xf32, #tpu.memory_space<vmem>>, vector<1x2816x128xf32>
      %get3A_177 = vector.shape_cast %get3A_176 : vector<1x2816x128xf32> to vector<2816x128xf32>
      %reduce_sum3A_178 = arith.constant dense<0.000000e+00> : vector<128xf32>
      %reduce_sum3A_179 = vector.multi_reduction <add>, %get3A_177, %reduce_sum3A_178 [0] : vector<2816x128xf32> to vector<128xf32>
      %broadcast_in_dim3A_180 = vector.shape_cast %reduce_sum3A_179 : vector<128xf32> to vector<1x128xf32>
      %mul3A_181 = arith.constant 7.812500e-03 : f32
      %mul3A_182 = vector.broadcast %mul3A_181 : f32 to vector<1x128xf32>
      %mul3A_183 = arith.mulf %broadcast_in_dim3A_180, %mul3A_182 : vector<1x128xf32>
      %swap3A_184 = arith.index_cast %add3A_160 : i32 to index
      %swap3A_185 = arith.constant 0 : index
      %swap3A_186 = vector.load %arg1[%swap3A_184, %swap3A_185] : memref<64x128xf32, #tpu.memory_space<vmem>>, vector<1x128xf32>
      tpu.vector_store %arg1[%swap3A_184, %swap3A_185], %mul3A_183 {strides = array<i32>} : memref<64x128xf32, #tpu.memory_space<vmem>>, vector<1x128xf32>,
      %add3A_187 = arith.constant 4 : i32
      %add3A_188 = arith.addi %add3A_160, %add3A_187 : i32
      %lt3A_189 = arith.constant 64 : i32
      %lt3A_190 = arith.cmpi slt, %add3A_188, %lt3A_189 : i32
      %convert_element_type3A_191 = arith.extui %lt3A_190 : i1 to i32
      %cond3A_192 = arith.constant 0 : i32
      %cond3A_193 = arith.cmpi ne, %convert_element_type3A_191, %cond3A_192 : i32
      scf.if %cond3A_193 {
        %add3A_194 = arith.constant 4 : i32
        %add3A_195 = arith.addi %add3A_160, %add3A_194 : i32
        %dma_start3A_196 = arith.constant 3 : i32
        %dma_start3A_197 = arith.constant 3 : i32
        %dma_start3A_198 = tpu.memref_slice %arg3[%dma_start3A_197] : memref<4x!tpu.dma_semaphore, #tpu.memory_space<semaphore_mem>> -> memref<1x!tpu.dma_semaphore, #tpu.memory_space<semaphore_mem>>
        %dma_start3A_199 = tpu.memref_squeeze %dma_start3A_198 : memref<1x!tpu.dma_semaphore, #tpu.memory_space<semaphore_mem>> -> memref<!tpu.dma_semaphore, #tpu.memory_space<semaphore_mem>>
        %dma_start3A_200 = arith.constant 0 : i32
        %dma_start3A_201 = arith.constant 0 : i32
        %dma_start3A_202 = tpu.memref_slice %arg2[%dma_start3A_196, %dma_start3A_200, %dma_start3A_201] : memref<4x2816x128xf32, #tpu.memory_space<vmem>> -> memref<1x2816x128xf32, #tpu.memory_space<vmem>>
        %dma_start3A_203 = tpu.memref_squeeze %dma_start3A_202 : memref<1x2816x128xf32, #tpu.memory_space<vmem>> -> memref<2816x128xf32, #tpu.memory_space<vmem>>
        %dma_start3A_204 = arith.constant 1280 : i32
        %dma_start3A_205 = arith.constant 0 : i32
        %dma_start3A_206 = tpu.memref_slice %arg0[%add3A_195, %dma_start3A_204, %dma_start3A_205] : memref<64x4096x128xf32, #tpu.memory_space<any>> -> memref<1x2816x128xf32, #tpu.memory_space<any>>
        %dma_start3A_207 = tpu.memref_squeeze %dma_start3A_206 : memref<1x2816x128xf32, #tpu.memory_space<any>> -> memref<2816x128xf32, #tpu.memory_space<any>>
        tpu.enqueue_dma source(%dma_start3A_207 : memref<2816x128xf32, #tpu.memory_space<any>>) target(%dma_start3A_203 : memref<2816x128xf32, #tpu.memory_space<vmem>>) target_semaphore(%dma_start3A_199 : memref<!tpu.dma_semaphore, #tpu.memory_space<semaphore_mem>>)
      } else {
      }
    }
    %scan3A_54 = arith.constant 16 : i32
    return
  }
}

</mosaic_0001>

<sc_bundles>
// kernel: kernel.4.cloned.1.call-start
scs
__scs_entry_jumppad:
0x0: {  	(pc) =	sbr.rel $0x88, $3  }
0x1: {  	(tag) =	ssettag $0x0;
	lr =	simm.s32 $0x1  }
0x2: {  	[smem:$0x3FA0] =	sst lr;
	_ =	strace $0xD0000000  }
0x3: {  	_ = 	snop  }
0x4: {  	_ = 	snop  }
0x5: {  	_ = 	snop  }
0x6: {  	_ = 	snop  }
0x7: {  	_ = 	snop  }
__scs_overlays_trampoline_lowered:
0x8: {  	[smem:$0x3FAF] =	sst s0  }
0x9: {  	[smem:$0x3FB0] =	sst s1  }
0xa: {  	[smem:$0x3FB1] =	sst s2  }
0xb: {  	[smem:$0x3FB2] =	sst s3  }
0xc: {  	[smem:$0x3FB3] =	sst s4  }
0xd: {  	[smem:$0x3FB4] =	sst s5  }
0xe: {  	[smem:$0x3FB5] =	sst s6  }
0xf: {  	[smem:$0x3FB6] =	sst s7  }
0x10: {  	[smem:$0x3FB7] =	sst s8  }
0x11: {  	[smem:$0x3FB8] =	sst s9;
	s0 =	simm.s32 @!p0 $0x0  }
0x12: {  	s1 =	sld [smem:$0x3F9E];
	s0 =	simm.s32 @p0 $0x1  }
0x13: {  	[smem:$0x3FB9] =	sst s0;
	s0 =	simm.s32 @!p1 $0x0  }
0x14: {  	s2 =	sld [smem:$0x3F9D];
	s0 =	simm.s32 @p1 $0x1  }
0x15: {  	[smem:$0x3FBA] =	sst s0;
	s0 =	simm.s32 @!p2 $0x0  }
0x16: {  	s3 =	sld [smem:$0x3FDB];
	s0 =	simm.s32 @p2 $0x1  }
0x17: {  	s4 =	simm.s32 $0x1BF5;
	[smem:$0x3FBC] =	sst s0  }
0x18: {  	s0 =	sld [smem:$0x3F9F];
	_ =	swait.ge [sflag:s4], $0x0  }
0x19: {  	s7 =	sld [smem:$0x3FA0]  }
0x1a: {  	s8 =	sadd.s32 $0xFFFFE003, lr  }
0x1b: {  	s9 =	sadd.s32 $0xFFFFFEF7, lr;
	s5 =	simm.s32 $0xFFFFFFFF;
	p2 =	slt.u32 s8, $0xFFFFF086  }
0x1c: {  	p1 =	slt.u32 s9, $0xF7A;
	s5 =	simm.s32 @!p2 $0x0  }
0x1d: {  	s5 =	simm.s32 @p1 $0x1;
	p0 =	seq.s32 s7, s2  }
0x1e: {  	s7 =	smul.u32 @!p0 $0xF7A, s2;
	p2 =	seq.s32 @!p0 s5, $0x0  }
0x1f: {  	s9 =	smul.u32 $0xF7A, s1;
	s8 =	simm.s32 @!p0 $0x1BF5;
	p2 =	por !p2, p0  }
0x20: {  	[sflag:s8] =	ssyncset.s32 @!p0 $0xFFFFF086;
	s6 =	sadd.s32 @!p0 s3, s7;
	s7 =	simm.s32 @!p0 $0x108  }
0x21: {  	s3 =	sadd.s32 s3, s9;
	s6 =	sadd.s32 @!p0 $0x88, s6;
	s7 =	simm.s32 @p2 $0x1082  }
0x22: {  	[simem:s7], [sflag:s8] =	dma.local @!p0 [hbm:s6], $0xF7A  }
0x23: {  	s9 =	sor.u32 $0xD0000000, s2;
	s6 =	simm.s32 $0x108;
	_ =	swait.ge @!p0 [sflag:s8], $0x0  }
0x24: {  	s3 =	sadd.s32 $0x88, s3;
	s6 =	simm.s32 @!p1 $0x1082;
	[sflag:s4] =	ssyncset.s32 $0xFFFFF086  }
0x25: {  	[simem:s6], [sflag:s4] =	dma.local [hbm:s3], $0xF7A  }
0x26: {  	[smem:$0x3FA0] =	sst s1;
	(tag) =	ssettag s2;
	_ =	strace s9  }
0x27: {  	s1 =	sld [smem:$0x3FB0]  }
0x28: {  	s2 =	sld [smem:$0x3FB1]  }
0x29: {  	s4 =	sld [smem:$0x3FB3]  }
0x2a: {  	p0 =	seq.s32 s5, $0x0;
	s5 =	sld [smem:$0x3FB4]  }
0x2b: {  	s6 =	sld [smem:$0x3FB5]  }
0x2c: {  	s7 =	sld [smem:$0x3FB6]  }
0x2d: {  	s3 =	simm.s32 $0x108;
	s8 =	sld [smem:$0x3FB7]  }
0x2e: {  	s3 =	simm.s32 @!p0 $0x1082;
	s9 =	sld [smem:$0x3FB8]  }
0x2f: {  	lr =	sadd.s32 s0, s3;
	s0 =	sld [smem:$0x3FAF]  }
0x30: {  	s3 =	sld [smem:$0x3FB2]  }
0x31: {  	[smem:$0x3FBB] =	sst s10  }
0x32: {  	s10 =	sld [smem:$0x3FB9];
	_ =	sdelay $0x3  }
0x33: {  	p0 =	seq.s32 s10, $0x1;
	s10 =	sld [smem:$0x3FBB];
	_ =	sdelay $0x3  }
0x34: {  	[smem:$0x3FBB] =	sst s10  }
0x35: {  	s10 =	sld [smem:$0x3FBA];
	_ =	sdelay $0x3  }
0x36: {  	p1 =	seq.s32 s10, $0x1;
	s10 =	sld [smem:$0x3FBB];
	_ =	sdelay $0x3  }
0x37: {  	[smem:$0x3FBB] =	sst s10  }
0x38: {  	s10 =	sld [smem:$0x3FBC]  }
0x39: {  	_ = 	snop;
	(pc) =	sbr.ind lr, $3  }
0x3a: {  	_ = 	snop  }
0x3b: {  	_ = 	snop  }
0x3c: {  	p2 =	seq.s32 s10, $0x1;
	s10 =	sld [smem:$0x3FBB]  }
0x3d: {  	_ =	shalt  }
0x3e: {  	_ =	shalt  }
0x3f: {  	_ =	shalt  }
0x40: {  	_ =	shalt  }
0x41: {  	_ =	shalt  }
0x42: {  	_ =	shalt  }
0x43: {  	_ =	shalt  }
0x44: {  	_ =	shalt  }
0x45: {  	_ =	shalt  }
0x46: {  	_ =	shalt  }
0x47: {  	_ =	shalt  }
0x48: {  	_ =	shalt  }
0x49: {  	_ =	shalt  }
0x4a: {  	_ =	shalt  }
0x4b: {  	_ =	shalt  }
0x4c: {  	_ =	shalt  }
0x4d: {  	_ =	shalt  }
0x4e: {  	_ =	shalt  }
0x4f: {  	_ =	shalt  }
0x50: {  	_ =	shalt  }
0x51: {  	_ =	shalt  }
0x52: {  	_ =	shalt  }
0x53: {  	_ =	shalt  }
0x54: {  	_ =	shalt  }
0x55: {  	_ =	shalt  }
0x56: {  	_ =	shalt  }
0x57: {  	_ =	shalt  }
0x58: {  	_ =	shalt  }
0x59: {  	_ =	shalt  }
0x5a: {  	_ =	shalt  }
0x5b: {  	_ =	shalt  }
0x5c: {  	_ =	shalt  }
0x5d: {  	_ =	shalt  }
0x5e: {  	_ =	shalt  }
0x5f: {  	_ =	shalt  }
0x60: {  	_ =	shalt  }
0x61: {  	_ =	shalt  }
0x62: {  	_ =	shalt  }
0x63: {  	_ =	shalt  }
0x64: {  	_ =	shalt  }
0x65: {  	_ =	shalt  }
0x66: {  	_ =	shalt  }
0x67: {  	_ =	shalt  }
0x68: {  	_ =	shalt  }
0x69: {  	_ =	shalt  }
0x6a: {  	_ =	shalt  }
0x6b: {  	_ =	shalt  }
0x6c: {  	_ =	shalt  }
0x6d: {  	_ =	shalt  }
0x6e: {  	_ =	shalt  }
0x6f: {  	_ =	shalt  }
0x70: {  	_ =	shalt  }
0x71: {  	_ =	shalt  }
0x72: {  	_ =	shalt  }
0x73: {  	_ =	shalt  }
0x74: {  	_ =	shalt  }
0x75: {  	_ =	shalt  }
0x76: {  	_ =	shalt  }
0x77: {  	_ =	shalt  }
0x78: {  	_ =	shalt  }
0x79: {  	_ =	shalt  }
0x7a: {  	_ =	shalt  }
0x7b: {  	_ =	shalt  }
0x7c: {  	_ =	shalt  }
0x7d: {  	_ =	shalt  }
0x7e: {  	_ =	shalt  }
0x7f: {  	_ =	shalt  }
0x80: {  	_ =	shalt  }
0x81: {  	_ =	shalt  }
0x82: {  	_ =	shalt  }
0x83: {  	_ =	shalt  }
0x84: {  	_ =	shalt  }
0x85: {  	_ =	shalt  }
0x86: {  	_ =	shalt  }
0x87: {  	_ =	shalt  }
.Lfunc_end0:
.L_simem_size_0:
called_computation_lowered:
.L_overlay_start_0:
0x88: {  	s2 =	sld [smem:$0x3FD9]  }
0x89: {  	s3 =	sld [smem:$0x3FFE];
	_ =	sdelay $0x1  }
0x8a: {  	s1 =	srdreg.scid  }
0x8b: {  	s0 =	sand.u32 $0x1, s1  }
0x8c: {  	s17 =	sshll.u32 s0, $0xA;
	s2 =	sadd.s32 s3, s2  }
0x8d: {  	s2 =	sadd.s32 s2, s17  }
0x8e: {  	[smem:$0x3FC7] =	sst s2  }
0x8f: {  	_ = 	snop  }
0x90: {  	s2 =	sld [smem:$0x3FC9];
	(tm) =	ssettm $0x1  }
0x91: {  	s18 =	sld [smem:$0x3FFB];
	_ =	sdelay $0x3  }
0x92: {  	_ =	strace s18  }
0x93: {  	s3 =	sld [smem:$0x3FFC];
	_ =	sdelay $0x3  }
0x94: {  	_ =	strace s3  }
0x95: {  	s3 =	sld [smem:$0x3FFD];
	_ =	sdelay $0x3  }
0x96: {  	_ =	strace s3  }
0x97: {  	_ =	strace $0x8FFFFFFF  }
0x98: {  	s19 =	sld [smem:$0x3FDB];
	_ =	sdelay $0x1  }
0x99: {  	s4 =	simm.s32 $_scs_section_size  }
0x9a: {  	s5 =	simm.s32 $_size__tile_overlayer_lowered;
	s6 =	simm.s32 $_tile_overlayer_lowered  }
0x9b: {  	s22 =	simm.s32 $0x1BFF;
	s21 =	sshll.u32 s6, $0x1;
	s3 =	sadd.s32 s4, s19  }
0x9c: {  	s7 =	simm.s32 $0x0;
	s20 =	sshll.u32 s5, $0x1;
	s5 =	sadd.s32 s21, s3  }
0x9d: {  	[timem:s7], [sflag:s22] =	dma.local [hbm:s5], s20  }
0x9e: {  	_ =	swait.ge [sflag:s22], s20  }
0x9f: {  	s4 =	ssub.s32 $0x0, s20;
	[sflag:s22] =	ssyncset.done $0x0  }
0xa0: {  	[sflag:s22] =	ssyncadd.s32 s4;
	_ =	sdelay $0x1  }
0xa1: {  	s23 =	simm.s32 $0x1B8B  }
0xa2: {  	_ =	swait.ge [sflag:s23], $0x1  }
0xa3: {  	[sflag:s23] =	ssyncset.done $0x0  }
0xa4: {  	s25 =	simm.s32 $0x1B8E;
	s24 =	sld [smem:$0x3FFE];
	[sflag:s23] =	ssyncadd.s32 $0xFFFFFFFF  }
0xa5: {  	s26 =	simm.s32 $execute0_lowered;
	[smem:$0x3FD2] =	sst s25  }
0xa6: {  	s5 =	sshll.u32 s26, $0x1;
	_ =	strace $0x80000046;
	[dreg:$0x1] =	wrdreg $0xFFFFFFFF  }
0xa7: {  	s28 =	simm.s32 $_size_execute0_lowered;
	s3 =	sadd.s32 s3, s5;
	[dreg:$0x0] =	wrdreg $0x0  }
0xa8: {  	s5 =	sshll.u32 s28, $0x1;
	[dreg:$0x2] =	wrdreg s3  }
0xa9: {  	[dreg:$0x3] =	wrdreg s5  }
0xaa: {  	[dreg:$0x4] =	wrdreg $0xC0  }
0xab: {  	_ =	task [dreg:s7], $0x5FFFF  }
0xac: {  	[dreg:$0x1] =	wrdreg $0xFFFFFFFF  }
0xad: {  	[dreg:$0x0] =	wrdreg $0x60  }
0xae: {  	[dreg:$0x2] =	wrdreg s2  }
0xaf: {  	[dreg:$0x3] =	wrdreg s24  }
0xb0: {  	[dreg:$0x4] =	wrdreg $0x9  }
0xb1: {  	_ =	task.clear_ibuf [dreg:s7], $0x5FFFF;
	_ =	strace $0x90000046  }
0xb2: {  	s29 =	simm.s32 $0x9;
	_ =	strace $0x80000048  }
0xb3: {  	_ =	swait.ge [sflag:s29], $0x1  }
0xb4: {  	[sflag:s29] =	ssyncadd.s32 $0xFFFFFFFF  }
0xb5: {  	_ =	strace $0x90000048  }
0xb6: {  	_ =	sfence  }
0xb7: {  	s30 =	sld [smem:$0x0];
	_ =	sdelay $0x2  }
0xb8: {  	s31 =	sshll.u32 s1, $0xD;
	s1 =	sshrl.u32 s1, $0x2  }
0xb9: {  	s3 =	sand.u32 $0x4000, s31;
	s1 =	sadd.s32 s1, s30  }
0xba: {  	s0 =	sor.u32 s3, s0;
	s1 =	sshll.u32 s1, $0x11  }
0xbb: {  	s0 =	sor.u32 s1, s0  }
0xbc: {  	s0 =	sadd.s32 $0x8F2B, s0  }
0xbd: {  	[sflag:s0] =	ssyncadd.remote.s32 $0x1  }
0xbe: {  	_ =	sfence.sel $0xFFFF  }
0xbf: {  	[dreg:$0x0] =	wrdreg $0xFFFFFFFF;
	(pc) =	sbr.abs _section_cstart, $3  }
0xc0: {  	[dreg:$0x1] =	wrdreg $0xFFFFFFFF  }
0xc1: {  	_ =	task.clear_ibuf [dreg:s7], $0x2FFFF;
	_ =	strace $0x9FFFFFFF  }
0xc2: {  	(tm) =	ssettm $0x7FFFFFFF  }
0xc3: {  	_ =	shalt  }
tec
execute0_lowered:
.L_overlay_start_1:
0x0: {  	(tag) =	ssettag $0x1  }
0x1: {  	s11 =	rddreg [dreg:$0x0]  }
0x2: {  	s4 =	rddreg [dreg:$0x1]  }
0x3: {  	s0 =	rddreg [dreg:$0x2];
	s3 =	srdreg.scid  }
0x4: {  	s2 =	simm.s32 $0x0;
	s1 =	stileid.u32;
	s14 =	simm.s32 $0xA000  }
0x5: {  	s15 =	simm.s32 $0x1;
	s16 =	simm.s32 $0x2;
	s17 =	simm.s32 $0x14000  }
0x6: {  	s18 =	simm.s32 $0x3;
	s19 =	simm.s32 $0x0;
	s3 =	sand.u32 $0x1, s3  }
0x7: {  	[smem:$0x7FF] =	sst s2;
	s5 =	sshll.u32 s1, $0x2;
	s6 =	sshll.u32 s3, $0x1  }
0x8: {  	s9 =	sadd.s32 $0x11400, s11;
	s31 =	ssub.s32 $0x2, s3;
	s5 =	sor.u32 s6, s5  }
0x9: {  	_ =	strace $0x80000047;
	s8 =	sshrl.u32 s31, $0x1;
	s7 =	sshll.u32 s5, $0x4  }
0xa: {  	s3 =	sshll.u32 s5, $0x10;
	s13 =	ssub.s32 s31, s8;
	s12 =	sadd.s32 s7, s4  }
0xb: {  	s4 =	sadd.s32 s11, s3;
	s11 =	sadd.s32 $0x13C00, s11;
	s13 =	smax.u32 s13, $0x1  }
0xc: {  	s5 =	sadd.s32 $0x1400, s4;
	s6 =	sadd.s32 $0x2800, s4;
	s7 =	sadd.s32 $0x3C00, s4  }
0xd: {  	s8 =	sadd.s32 $0x10000, s4;
	s10 =	sadd.s32 $0x12800, s4;
	s12 =	sadd.s32 $0x400, s12  }
.LBB2_1:
0xe: {  	v0 =	vimm.f32 $0.0e+00;
	v1 =	vimm.f32 $0.0e+00  }
0xf: {  	[tilespmem:s2], [sflag:$0x1] =	stream.linear.gather [hbm4b:s4+s2], $0xA000, $0x38;
	v4 =	vimm.f32 $0.0e+00;
	v7 =	vimm.f32 $0.0e+00;
	v9 =	vimm.f32 $0.0e+00;
	[tilespmem:$0x14100] =	vst v63  }
0x10: {  	p0 =	por $0x1, $0x1;
	s20 =	smov.u32 s5;
	v12 =	vimm.f32 $0.0e+00;
	v19 =	vimm.f32 $0.0e+00;
	v20 =	vimm.f32 $0.0e+00  }
.LBB2_2:
0x11: {  	s21 =	simm.s32 $0x0  }
0x12: {  	[tilespmem:s14], [sflag:$0x2] =	stream.linear.gather [hbm4b:s20+s21], $0xA000, $0x38;
	[tilespmem:$0x14100] =	vst v63  }
0x13: {  	_ =	swait.ge [sflag:s15], $0xA000  }
0x14: {  	[sflag:s15] =	ssyncset.done $0x0  }
0x15: {  	s20 =	simm.s32 $0x0;
	[sflag:s15] =	ssyncadd.s32 $0xFFFF6000  }
0x16: {  	v11 =	vld [tilespmem:s20+$0x180]  }
0x17: {  	v15 =	vld [tilespmem:s20+$0x190]  }
0x18: {  	v16 =	vld [tilespmem:s20+$0x1A0]  }
0x19: {  	v18 =	vld [tilespmem:s20+$0x1B0]  }
0x1a: {  	v2 =	vld [tilespmem:s20+$0x1C0]  }
0x1b: {  	v5 =	vld [tilespmem:s20+$0x1D0]  }
0x1c: {  	v22 =	vld [tilespmem:s20+$0x100]  }
0x1d: {  	v24 =	vld [tilespmem:s20+$0x110]  }
0x1e: {  	v14 =	vld [tilespmem:s20+$0x120]  }
0x1f: {  	v23 =	vld [tilespmem:s20+$0x130]  }
0x20: {  	v8 =	vld [tilespmem:s20+$0x140]  }
0x21: {  	v10 =	vld [tilespmem:s20+$0x150]  }
0x22: {  	v3 =	vld [tilespmem:s20+$0x80]  }
0x23: {  	v6 =	vld [tilespmem:s20+$0x90]  }
0x24: {  	v13 =	vld [tilespmem:s20+$0x0]  }
0x25: {  	v17 =	vld [tilespmem:s20+$0x10]  }
0x26: {  	v21 =	vld [tilespmem:s20+$0x20]  }
0x27: {  	v27 =	vld [tilespmem:s20+$0x30]  }
0x28: {  	v32 =	vld [tilespmem:s20+$0xA0]  }
0x29: {  	v33 =	vld [tilespmem:s20+$0xB0]  }
0x2a: {  	v25 =	vld [tilespmem:s20+$0xC0]  }
0x2b: {  	v26 =	vld [tilespmem:s20+$0xD0];
	v13 =	vadd.f32 v13, v20;
	v17 =	vadd.f32 v17, v19  }
0x2c: {  	v28 =	vld [tilespmem:s20+$0x50];
	v12 =	vadd.f32 v21, v12;
	v9 =	vadd.f32 v27, v9  }
0x2d: {  	v29 =	vld [tilespmem:s20+$0x60];
	v30 =	vadd.f32 v3, v13;
	v31 =	vadd.f32 v6, v17  }
0x2e: {  	s21 =	simm.s32 $0x800;
	v27 =	vld [tilespmem:s20+$0x40];
	v32 =	vadd.f32 v32, v12;
	v33 =	vadd.f32 v33, v9  }
.LBB2_3:
0x2f: {  	p1 =	sne.s32 s21, $0x27800;
	v3 =	vld [tilespmem:s20+$0x70];
	v6 =	vadd.f32 v22, v30;
	v9 =	vadd.f32 v24, v31  }
0x30: {  	v12 =	vld [tilespmem:s20+$0xE0];
	v13 =	vadd.f32 v14, v32;
	v14 =	vadd.f32 v23, v33  }
0x31: {  	v17 =	vld [tilespmem:s20+$0xF0];
	v6 =	vadd.f32 v11, v6;
	v9 =	vadd.f32 v15, v9  }
0x32: {  	v19 =	vld [tilespmem:s20+$0x160];
	v13 =	vadd.f32 v16, v13;
	v20 =	vadd.f32 v18, v14  }
0x33: {  	v7 =	vadd.f32 v27, v7;
	v4 =	vadd.f32 v28, v4;
	v14 =	vld [tilespmem:s20+$0x170]  }
0x34: {  	v1 =	vadd.f32 v29, v1;
	v0 =	vadd.f32 v3, v0;
	v3 =	vld [tilespmem:s20+$0x1E0]  }
0x35: {  	v7 =	vadd.f32 v25, v7;
	v4 =	vadd.f32 v26, v4;
	v21 =	vld [tilespmem:s20+$0x1F0];
	s20 =	sshra.s32 s21, $0x2  }
0x36: {  	v1 =	vadd.f32 v12, v1;
	v11 =	vld [tilespmem:s20+$0x180];
	v0 =	vadd.f32 v17, v0  }
0x37: {  	v7 =	vadd.f32 v8, v7;
	v4 =	vadd.f32 v10, v4;
	v15 =	vld [tilespmem:s20+$0x190]  }
0x38: {  	v1 =	vadd.f32 v19, v1;
	v16 =	vld [tilespmem:s20+$0x1A0];
	v0 =	vadd.f32 v14, v0  }
0x39: {  	v7 =	vadd.f32 v2, v7;
	v4 =	vadd.f32 v5, v4;
	v18 =	vld [tilespmem:s20+$0x1B0]  }
0x3a: {  	v1 =	vadd.f32 v3, v1;
	v2 =	vld [tilespmem:s20+$0x1C0];
	v0 =	vadd.f32 v21, v0  }
0x3b: {  	v5 =	vld [tilespmem:s20+$0x1D0]  }
0x3c: {  	v22 =	vld [tilespmem:s20+$0x100]  }
0x3d: {  	v24 =	vld [tilespmem:s20+$0x110]  }
0x3e: {  	v14 =	vld [tilespmem:s20+$0x120]  }
0x3f: {  	v23 =	vld [tilespmem:s20+$0x130]  }
0x40: {  	v8 =	vld [tilespmem:s20+$0x140]  }
0x41: {  	v10 =	vld [tilespmem:s20+$0x150]  }
0x42: {  	v3 =	vld [tilespmem:s20+$0x80]  }
0x43: {  	v12 =	vld [tilespmem:s20+$0x90]  }
0x44: {  	v17 =	vld [tilespmem:s20+$0x0]  }
0x45: {  	v19 =	vld [tilespmem:s20+$0x10]  }
0x46: {  	v21 =	vld [tilespmem:s20+$0x20]  }
0x47: {  	v27 =	vld [tilespmem:s20+$0x30]  }
0x48: {  	v32 =	vld [tilespmem:s20+$0xA0]  }
0x49: {  	v33 =	vld [tilespmem:s20+$0xB0]  }
.Ltmp0:
0x4a: {  	v25 =	vld [tilespmem:s20+$0xC0];
	(pc) =	sbr.rel @p1 .LBB2_3-.Ltmp0, $4  }
0x4b: {  	v6 =	vadd.f32 v17, v6;
	v9 =	vadd.f32 v19, v9;
	v26 =	vld [tilespmem:s20+$0xD0]  }
0x4c: {  	v13 =	vadd.f32 v21, v13;
	v17 =	vadd.f32 v27, v20;
	v27 =	vld [tilespmem:s20+$0x40]  }
0x4d: {  	v30 =	vadd.f32 v3, v6;
	v31 =	vadd.f32 v12, v9;
	v28 =	vld [tilespmem:s20+$0x50]  }
0x4e: {  	s21 =	sadd.s32 $0x800, s21;
	v32 =	vadd.f32 v32, v13;
	v29 =	vld [tilespmem:s20+$0x60];
	v33 =	vadd.f32 v33, v17  }
0x4f: {  	v34 =	vld [tilespmem:s20+$0x70]  }
0x50: {  	v35 =	vld [tilespmem:s20+$0xE0]  }
0x51: {  	v36 =	vld [tilespmem:s20+$0xF0]  }
0x52: {  	v37 =	vld [tilespmem:s20+$0x160]  }
0x53: {  	v38 =	vld [tilespmem:s20+$0x170]  }
0x54: {  	v39 =	vld [tilespmem:s20+$0x1E0]  }
0x55: {  	v40 =	vld [tilespmem:s20+$0x1F0];
	s20 =	simm.s32 @p0 $0x0  }
0x56: {  	[tilespmem:s20], [sflag:$0x1] =	stream.linear.gather @p0 [hbm4b:s6+s20], $0xA000, $0x38;
	[tilespmem:$0x14100] =	vst v63  }
0x57: {  	_ =	swait.ge [sflag:s16], $0xA000  }
0x58: {  	[sflag:s16] =	ssyncset.done $0x0  }
0x59: {  	s20 =	simm.s32 $0x0;
	[sflag:s16] =	ssyncadd.s32 $0xFFFF6000  }
0x5a: {  	v9 =	vld [tilespmem:s20+$0xA180]  }
0x5b: {  	v12 =	vld [tilespmem:s20+$0xA190]  }
0x5c: {  	v13 =	vld [tilespmem:s20+$0xA1A0]  }
0x5d: {  	v17 =	vld [tilespmem:s20+$0xA1B0]  }
0x5e: {  	v3 =	vld [tilespmem:s20+$0xA1C0]  }
0x5f: {  	v6 =	vld [tilespmem:s20+$0xA1D0]  }
0x60: {  	v20 =	vld [tilespmem:s20+$0xA100]  }
0x61: {  	v21 =	vld [tilespmem:s20+$0xA110]  }
0x62: {  	v19 =	vld [tilespmem:s20+$0xA120]  }
0x63: {  	v30 =	vadd.f32 v22, v30;
	v24 =	vadd.f32 v24, v31;
	v22 =	vld [tilespmem:s20+$0xA130]  }
0x64: {  	v60 =	vadd.f32 v14, v32;
	v23 =	vadd.f32 v23, v33;
	v14 =	vld [tilespmem:s20+$0xA140]  }
0x65: {  	v30 =	vadd.f32 v11, v30;
	v15 =	vadd.f32 v15, v24;
	v11 =	vld [tilespmem:s20+$0xA150]  }
0x66: {  	v7 =	vadd.f32 v27, v7;
	v18 =	vadd.f32 v18, v23;
	v23 =	vld [tilespmem:s20+$0xA080]  }
0x67: {  	v16 =	vadd.f32 v16, v60;
	v4 =	vadd.f32 v28, v4;
	v24 =	vld [tilespmem:s20+$0xA090]  }
0x68: {  	v1 =	vadd.f32 v29, v1;
	v0 =	vadd.f32 v34, v0;
	v27 =	vld [tilespmem:s20+$0xA000]  }
0x69: {  	v7 =	vadd.f32 v25, v7;
	v4 =	vadd.f32 v26, v4;
	v25 =	vld [tilespmem:s20+$0xA010]  }
0x6a: {  	v26 =	vld [tilespmem:s20+$0xA020];
	v1 =	vadd.f32 v35, v1;
	v0 =	vadd.f32 v36, v0  }
0x6b: {  	v7 =	vadd.f32 v8, v7;
	v8 =	vld [tilespmem:s20+$0xA030];
	v4 =	vadd.f32 v10, v4  }
0x6c: {  	v62 =	vld [tilespmem:s20+$0xA0A0];
	v10 =	vadd.f32 v37, v1;
	v61 =	vadd.f32 v38, v0  }
0x6d: {  	v63 =	vld [tilespmem:s20+$0xA0B0];
	v0 =	vadd.f32 v2, v7;
	v1 =	vadd.f32 v5, v4  }
0x6e: {  	v5 =	vld [tilespmem:s20+$0xA0C0];
	v2 =	vadd.f32 v39, v10;
	v27 =	vadd.f32 v27, v30  }
0x6f: {  	v7 =	vld [tilespmem:s20+$0xA0D0];
	v15 =	vadd.f32 v25, v15;
	v25 =	vadd.f32 v26, v16  }
0x70: {  	v10 =	vld [tilespmem:s20+$0xA050];
	v4 =	vadd.f32 v40, v61;
	v26 =	vadd.f32 v8, v18  }
0x71: {  	v8 =	vld [tilespmem:s20+$0xA040];
	v16 =	vadd.f32 v23, v27;
	v18 =	vadd.f32 v24, v15  }
0x72: {  	s21 =	simm.s32 $0x800;
	v15 =	vld [tilespmem:s20+$0xA060];
	v23 =	vadd.f32 v62, v25;
	v24 =	vadd.f32 v63, v26  }
.LBB2_5:
0x73: {  	p1 =	sne.s32 s21, $0x27800;
	v25 =	vld [tilespmem:s20+$0xA070];
	v16 =	vadd.f32 v20, v16;
	v18 =	vadd.f32 v21, v18  }
0x74: {  	v20 =	vld [tilespmem:s20+$0xA0E0];
	v19 =	vadd.f32 v19, v23;
	v21 =	vadd.f32 v22, v24  }
0x75: {  	v22 =	vld [tilespmem:s20+$0xA0F0];
	v16 =	vadd.f32 v9, v16;
	v18 =	vadd.f32 v12, v18  }
0x76: {  	v23 =	vld [tilespmem:s20+$0xA160];
	v24 =	vadd.f32 v13, v19;
	v26 =	vadd.f32 v17, v21  }
0x77: {  	v0 =	vadd.f32 v8, v0;
	v1 =	vadd.f32 v10, v1;
	v8 =	vld [tilespmem:s20+$0xA170]  }
0x78: {  	v2 =	vadd.f32 v15, v2;
	v4 =	vadd.f32 v25, v4;
	v10 =	vld [tilespmem:s20+$0xA1E0]  }
0x79: {  	v0 =	vadd.f32 v5, v0;
	v1 =	vadd.f32 v7, v1;
	v5 =	vld [tilespmem:s20+$0xA1F0];
	s20 =	sshra.s32 s21, $0x2  }
0x7a: {  	v2 =	vadd.f32 v20, v2;
	v9 =	vld [tilespmem:s20+$0xA180];
	v4 =	vadd.f32 v22, v4  }
0x7b: {  	v0 =	vadd.f32 v14, v0;
	v1 =	vadd.f32 v11, v1;
	v12 =	vld [tilespmem:s20+$0xA190]  }
0x7c: {  	v2 =	vadd.f32 v23, v2;
	v13 =	vld [tilespmem:s20+$0xA1A0];
	v4 =	vadd.f32 v8, v4  }
0x7d: {  	v0 =	vadd.f32 v3, v0;
	v1 =	vadd.f32 v6, v1;
	v17 =	vld [tilespmem:s20+$0xA1B0]  }
0x7e: {  	v2 =	vadd.f32 v10, v2;
	v3 =	vld [tilespmem:s20+$0xA1C0];
	v4 =	vadd.f32 v5, v4  }
0x7f: {  	v6 =	vld [tilespmem:s20+$0xA1D0]  }
0x80: {  	v20 =	vld [tilespmem:s20+$0xA100]  }
0x81: {  	v21 =	vld [tilespmem:s20+$0xA110]  }
0x82: {  	v19 =	vld [tilespmem:s20+$0xA120]  }
0x83: {  	v22 =	vld [tilespmem:s20+$0xA130]  }
0x84: {  	v14 =	vld [tilespmem:s20+$0xA140]  }
0x85: {  	v11 =	vld [tilespmem:s20+$0xA150]  }
0x86: {  	v15 =	vld [tilespmem:s20+$0xA080]  }
0x87: {  	v23 =	vld [tilespmem:s20+$0xA090]  }
0x88: {  	v7 =	vld [tilespmem:s20+$0xA000]  }
0x89: {  	v8 =	vld [tilespmem:s20+$0xA010]  }
0x8a: {  	v10 =	vld [tilespmem:s20+$0xA020]  }
0x8b: {  	v25 =	vld [tilespmem:s20+$0xA030]  }
0x8c: {  	v27 =	vld [tilespmem:s20+$0xA0A0]  }
0x8d: {  	v28 =	vld [tilespmem:s20+$0xA0B0]  }
.Ltmp1:
0x8e: {  	v5 =	vld [tilespmem:s20+$0xA0C0];
	(pc) =	sbr.rel @p1 .LBB2_5-.Ltmp1, $4  }
0x8f: {  	v16 =	vadd.f32 v7, v16;
	v18 =	vadd.f32 v8, v18;
	v7 =	vld [tilespmem:s20+$0xA0D0]  }
0x90: {  	v24 =	vadd.f32 v10, v24;
	v25 =	vadd.f32 v25, v26;
	v8 =	vld [tilespmem:s20+$0xA040]  }
0x91: {  	v16 =	vadd.f32 v15, v16;
	v18 =	vadd.f32 v23, v18;
	v10 =	vld [tilespmem:s20+$0xA050]  }
0x92: {  	s21 =	sadd.s32 $0x800, s21;
	v23 =	vadd.f32 v27, v24;
	v15 =	vld [tilespmem:s20+$0xA060];
	v24 =	vadd.f32 v28, v25  }
0x93: {  	v25 =	vld [tilespmem:s20+$0xA070];
	v16 =	vadd.f32 v20, v16;
	v18 =	vadd.f32 v21, v18  }
0x94: {  	v21 =	vld [tilespmem:s20+$0xA0E0];
	v23 =	vadd.f32 v19, v23;
	v22 =	vadd.f32 v22, v24  }
0x95: {  	v63 =	vld [tilespmem:s20+$0xA0F0];
	v20 =	vadd.f32 v9, v16;
	v19 =	vadd.f32 v12, v18  }
0x96: {  	v16 =	vld [tilespmem:s20+$0xA160];
	v0 =	vadd.f32 v8, v0;
	v12 =	vadd.f32 v13, v23  }
0x97: {  	v8 =	vld [tilespmem:s20+$0xA170];
	v9 =	vadd.f32 v17, v22;
	v1 =	vadd.f32 v10, v1  }
0x98: {  	v10 =	vld [tilespmem:s20+$0xA1E0];
	v2 =	vadd.f32 v15, v2;
	v4 =	vadd.f32 v25, v4  }
0x99: {  	v0 =	vadd.f32 v5, v0;
	v5 =	vld [tilespmem:s20+$0xA1F0];
	v1 =	vadd.f32 v7, v1  }
.Ltmp2:
0x9a: {  	v2 =	vadd.f32 v21, v2;
	v4 =	vadd.f32 v63, v4;
	(pc) =	sbr.rel @!p0 .LBB2_8-.Ltmp2, $4  }
0x9b: {  	v0 =	vadd.f32 v14, v0;
	v1 =	vadd.f32 v11, v1  }
0x9c: {  	v2 =	vadd.f32 v16, v2;
	v8 =	vadd.f32 v8, v4  }
0x9d: {  	v7 =	vadd.f32 v3, v0;
	v4 =	vadd.f32 v6, v1  }
0x9e: {  	v1 =	vadd.f32 v10, v2;
	v0 =	vadd.f32 v5, v8  }
.Ltmp3:
0x9f: {  	(pc) =	sbr.rel .LBB2_2-.Ltmp3, $2  }
0xa0: {  	_ =	sdelay $0x2  }
0xa1: {  	p0 =	por $0x0, $0x0;
	s20 =	smov.u32 s7  }
.LBB2_8:
0xa2: {  	v2 =	vmul.f32 $7.812500000e-03, v20  }
0xa3: {  	v3 =	vmul.f32 $7.812500000e-03, v19  }
0xa4: {  	v1 =	vmul.f32 $7.812500000e-03, v1;
	[tilespmem:$0x14000] =	vst v2  }
0xa5: {  	v0 =	vmul.f32 $7.812500000e-03, v0;
	[tilespmem:$0x14010] =	vst v3  }
0xa6: {  	v2 =	vmul.f32 $7.812500000e-03, v12;
	[tilespmem:$0x14060] =	vst v1  }
0xa7: {  	v3 =	vmul.f32 $7.812500000e-03, v9;
	[tilespmem:$0x14070] =	vst v0  }
0xa8: {  	[tilespmem:$0x14020] =	vst v2;
	v2 =	vmul.f32 $7.812500000e-03, v7  }
0xa9: {  	[tilespmem:$0x14030] =	vst v3;
	v3 =	vmul.f32 $7.812500000e-03, v4  }
0xaa: {  	v10 =	vimm.f32 $0.0e+00;
	v19 =	vimm.f32 $0.0e+00;
	[tilespmem:$0x14040] =	vst v2  }
0xab: {  	p1 =	por $0x1, $0x1;
	s20 =	smov.u32 s9;
	v20 =	vimm.f32 $0.0e+00;
	v12 =	vimm.f32 $0.0e+00;
	v0 =	vimm.f32 $0.0e+00;
	[tilespmem:$0x14050] =	vst v3  }
0xac: {  	v1 =	vimm.f32 $0.0e+00;
	v4 =	vimm.f32 $0.0e+00;
	v7 =	vimm.f32 $0.0e+00;
	[tilespmem:s2], [sflag:$0x1] =	stream.linear.gather [hbm4b:s8+s2], $0xA000, $0x38;
	[tilespmem:$0x14100] =	vst v63  }
.LBB2_9:
0xad: {  	s20 =	sadd.s32 s3, s20;
	s21 =	simm.s32 $0x0  }
0xae: {  	[tilespmem:s14], [sflag:$0x2] =	stream.linear.gather [hbm4b:s20+s21], $0xA000, $0x38;
	[tilespmem:$0x14100] =	vst v63  }
0xaf: {  	_ =	swait.ge [sflag:s15], $0xA000  }
0xb0: {  	[sflag:s15] =	ssyncset.done $0x0  }
0xb1: {  	s20 =	simm.s32 $0x0;
	[sflag:s15] =	ssyncadd.s32 $0xFFFF6000  }
0xb2: {  	v11 =	vld [tilespmem:s20+$0x180]  }
0xb3: {  	v15 =	vld [tilespmem:s20+$0x190]  }
0xb4: {  	v16 =	vld [tilespmem:s20+$0x1A0]  }
0xb5: {  	v18 =	vld [tilespmem:s20+$0x1B0]  }
0xb6: {  	v2 =	vld [tilespmem:s20+$0x1C0]  }
0xb7: {  	v5 =	vld [tilespmem:s20+$0x1D0]  }
0xb8: {  	v22 =	vld [tilespmem:s20+$0x100]  }
0xb9: {  	v24 =	vld [tilespmem:s20+$0x110]  }
0xba: {  	v14 =	vld [tilespmem:s20+$0x120]  }
0xbb: {  	v23 =	vld [tilespmem:s20+$0x130]  }
0xbc: {  	v8 =	vld [tilespmem:s20+$0x140]  }
0xbd: {  	v9 =	vld [tilespmem:s20+$0x150]  }
0xbe: {  	v3 =	vld [tilespmem:s20+$0x80]  }
0xbf: {  	v6 =	vld [tilespmem:s20+$0x90]  }
0xc0: {  	v13 =	vld [tilespmem:s20+$0x0]  }
0xc1: {  	v17 =	vld [tilespmem:s20+$0x10]  }
0xc2: {  	v21 =	vld [tilespmem:s20+$0x20]  }
0xc3: {  	v27 =	vld [tilespmem:s20+$0x30]  }
0xc4: {  	v32 =	vld [tilespmem:s20+$0xA0]  }
0xc5: {  	v33 =	vld [tilespmem:s20+$0xB0]  }
0xc6: {  	v25 =	vld [tilespmem:s20+$0xC0]  }
0xc7: {  	v26 =	vld [tilespmem:s20+$0xD0];
	v13 =	vadd.f32 v13, v20;
	v17 =	vadd.f32 v17, v19  }
0xc8: {  	v28 =	vld [tilespmem:s20+$0x50];
	v12 =	vadd.f32 v21, v12;
	v10 =	vadd.f32 v27, v10  }
0xc9: {  	v29 =	vld [tilespmem:s20+$0x60];
	v30 =	vadd.f32 v3, v13;
	v31 =	vadd.f32 v6, v17  }
0xca: {  	p0 =	por p1, p1;
	s21 =	simm.s32 $0x800;
	v27 =	vld [tilespmem:s20+$0x40];
	v32 =	vadd.f32 v32, v12;
	v33 =	vadd.f32 v33, v10  }
.LBB2_10:
0xcb: {  	p1 =	sne.s32 s21, $0x27800;
	v3 =	vld [tilespmem:s20+$0x70];
	v6 =	vadd.f32 v22, v30;
	v10 =	vadd.f32 v24, v31  }
0xcc: {  	v12 =	vld [tilespmem:s20+$0xE0];
	v13 =	vadd.f32 v14, v32;
	v14 =	vadd.f32 v23, v33  }
0xcd: {  	v17 =	vld [tilespmem:s20+$0xF0];
	v6 =	vadd.f32 v11, v6;
	v10 =	vadd.f32 v15, v10  }
0xce: {  	v19 =	vld [tilespmem:s20+$0x160];
	v13 =	vadd.f32 v16, v13;
	v20 =	vadd.f32 v18, v14  }
0xcf: {  	v7 =	vadd.f32 v27, v7;
	v4 =	vadd.f32 v28, v4;
	v14 =	vld [tilespmem:s20+$0x170]  }
0xd0: {  	v1 =	vadd.f32 v29, v1;
	v0 =	vadd.f32 v3, v0;
	v3 =	vld [tilespmem:s20+$0x1E0]  }
0xd1: {  	v7 =	vadd.f32 v25, v7;
	v4 =	vadd.f32 v26, v4;
	v21 =	vld [tilespmem:s20+$0x1F0];
	s20 =	sshra.s32 s21, $0x2  }
0xd2: {  	v1 =	vadd.f32 v12, v1;
	v11 =	vld [tilespmem:s20+$0x180];
	v0 =	vadd.f32 v17, v0  }
0xd3: {  	v7 =	vadd.f32 v8, v7;
	v4 =	vadd.f32 v9, v4;
	v15 =	vld [tilespmem:s20+$0x190]  }
0xd4: {  	v1 =	vadd.f32 v19, v1;
	v16 =	vld [tilespmem:s20+$0x1A0];
	v0 =	vadd.f32 v14, v0  }
0xd5: {  	v7 =	vadd.f32 v2, v7;
	v4 =	vadd.f32 v5, v4;
	v18 =	vld [tilespmem:s20+$0x1B0]  }
0xd6: {  	v1 =	vadd.f32 v3, v1;
	v2 =	vld [tilespmem:s20+$0x1C0];
	v0 =	vadd.f32 v21, v0  }
0xd7: {  	v5 =	vld [tilespmem:s20+$0x1D0]  }
0xd8: {  	v22 =	vld [tilespmem:s20+$0x100]  }
0xd9: {  	v24 =	vld [tilespmem:s20+$0x110]  }
0xda: {  	v14 =	vld [tilespmem:s20+$0x120]  }
0xdb: {  	v23 =	vld [tilespmem:s20+$0x130]  }
0xdc: {  	v8 =	vld [tilespmem:s20+$0x140]  }
0xdd: {  	v9 =	vld [tilespmem:s20+$0x150]  }
0xde: {  	v3 =	vld [tilespmem:s20+$0x80]  }
0xdf: {  	v12 =	vld [tilespmem:s20+$0x90]  }
0xe0: {  	v17 =	vld [tilespmem:s20+$0x0]  }
0xe1: {  	v19 =	vld [tilespmem:s20+$0x10]  }
0xe2: {  	v21 =	vld [tilespmem:s20+$0x20]  }
0xe3: {  	v27 =	vld [tilespmem:s20+$0x30]  }
0xe4: {  	v32 =	vld [tilespmem:s20+$0xA0]  }
0xe5: {  	v33 =	vld [tilespmem:s20+$0xB0]  }
.Ltmp4:
0xe6: {  	v25 =	vld [tilespmem:s20+$0xC0];
	(pc) =	sbr.rel @p1 .LBB2_10-.Ltmp4, $4  }
0xe7: {  	v6 =	vadd.f32 v17, v6;
	v10 =	vadd.f32 v19, v10;
	v26 =	vld [tilespmem:s20+$0xD0]  }
0xe8: {  	v13 =	vadd.f32 v21, v13;
	v17 =	vadd.f32 v27, v20;
	v27 =	vld [tilespmem:s20+$0x40]  }
0xe9: {  	v30 =	vadd.f32 v3, v6;
	v31 =	vadd.f32 v12, v10;
	v28 =	vld [tilespmem:s20+$0x50]  }
0xea: {  	s21 =	sadd.s32 $0x800, s21;
	v32 =	vadd.f32 v32, v13;
	v29 =	vld [tilespmem:s20+$0x60];
	v33 =	vadd.f32 v33, v17  }
0xeb: {  	v34 =	vld [tilespmem:s20+$0x70]  }
0xec: {  	v35 =	vld [tilespmem:s20+$0xE0]  }
0xed: {  	v36 =	vld [tilespmem:s20+$0xF0]  }
0xee: {  	v37 =	vld [tilespmem:s20+$0x160]  }
0xef: {  	v38 =	vld [tilespmem:s20+$0x170]  }
0xf0: {  	v39 =	vld [tilespmem:s20+$0x1E0]  }
0xf1: {  	v40 =	vld [tilespmem:s20+$0x1F0];
	s20 =	simm.s32 @p0 $0x0  }
0xf2: {  	[tilespmem:s20], [sflag:$0x1] =	stream.linear.gather @p0 [hbm4b:s10+s20], $0xA000, $0x38;
	[tilespmem:$0x14100] =	vst v63  }
0xf3: {  	_ =	swait.ge [sflag:s16], $0xA000  }
0xf4: {  	[sflag:s16] =	ssyncset.done $0x0  }
0xf5: {  	s20 =	simm.s32 $0x0;
	[sflag:s16] =	ssyncadd.s32 $0xFFFF6000  }
0xf6: {  	v10 =	vld [tilespmem:s20+$0xA180]  }
0xf7: {  	v12 =	vld [tilespmem:s20+$0xA190]  }
0xf8: {  	v13 =	vld [tilespmem:s20+$0xA1A0]  }
0xf9: {  	v17 =	vld [tilespmem:s20+$0xA1B0]  }
0xfa: {  	v3 =	vld [tilespmem:s20+$0xA1C0]  }
0xfb: {  	v6 =	vld [tilespmem:s20+$0xA1D0]  }
0xfc: {  	v20 =	vld [tilespmem:s20+$0xA100]  }
0xfd: {  	v21 =	vld [tilespmem:s20+$0xA110]  }
0xfe: {  	v19 =	vld [tilespmem:s20+$0xA120]  }
0xff: {  	v30 =	vadd.f32 v22, v30;
	v24 =	vadd.f32 v24, v31;
	v22 =	vld [tilespmem:s20+$0xA130]  }
0x100: {  	v60 =	vadd.f32 v14, v32;
	v23 =	vadd.f32 v23, v33;
	v14 =	vld [tilespmem:s20+$0xA140]  }
0x101: {  	v30 =	vadd.f32 v11, v30;
	v15 =	vadd.f32 v15, v24;
	v11 =	vld [tilespmem:s20+$0xA150]  }
0x102: {  	v7 =	vadd.f32 v27, v7;
	v18 =	vadd.f32 v18, v23;
	v23 =	vld [tilespmem:s20+$0xA080]  }
0x103: {  	v16 =	vadd.f32 v16, v60;
	v4 =	vadd.f32 v28, v4;
	v24 =	vld [tilespmem:s20+$0xA090]  }
0x104: {  	v1 =	vadd.f32 v29, v1;
	v0 =	vadd.f32 v34, v0;
	v27 =	vld [tilespmem:s20+$0xA000]  }
0x105: {  	v7 =	vadd.f32 v25, v7;
	v4 =	vadd.f32 v26, v4;
	v25 =	vld [tilespmem:s20+$0xA010]  }
0x106: {  	v26 =	vld [tilespmem:s20+$0xA020];
	v1 =	vadd.f32 v35, v1;
	v0 =	vadd.f32 v36, v0  }
0x107: {  	v7 =	vadd.f32 v8, v7;
	v8 =	vld [tilespmem:s20+$0xA030];
	v4 =	vadd.f32 v9, v4  }
0x108: {  	v62 =	vld [tilespmem:s20+$0xA0A0];
	v9 =	vadd.f32 v37, v1;
	v61 =	vadd.f32 v38, v0  }
0x109: {  	v63 =	vld [tilespmem:s20+$0xA0B0];
	v0 =	vadd.f32 v2, v7;
	v1 =	vadd.f32 v5, v4  }
0x10a: {  	v5 =	vld [tilespmem:s20+$0xA0C0];
	v2 =	vadd.f32 v39, v9;
	v27 =	vadd.f32 v27, v30  }
0x10b: {  	v7 =	vld [tilespmem:s20+$0xA0D0];
	v15 =	vadd.f32 v25, v15;
	v25 =	vadd.f32 v26, v16  }
0x10c: {  	v9 =	vld [tilespmem:s20+$0xA050];
	v4 =	vadd.f32 v40, v61;
	v26 =	vadd.f32 v8, v18  }
0x10d: {  	v8 =	vld [tilespmem:s20+$0xA040];
	v16 =	vadd.f32 v23, v27;
	v18 =	vadd.f32 v24, v15  }
0x10e: {  	s21 =	simm.s32 $0x800;
	v15 =	vld [tilespmem:s20+$0xA060];
	v23 =	vadd.f32 v62, v25;
	v24 =	vadd.f32 v63, v26  }
.LBB2_12:
0x10f: {  	p1 =	sne.s32 s21, $0x27800;
	v25 =	vld [tilespmem:s20+$0xA070];
	v16 =	vadd.f32 v20, v16;
	v18 =	vadd.f32 v21, v18  }
0x110: {  	v20 =	vld [tilespmem:s20+$0xA0E0];
	v19 =	vadd.f32 v19, v23;
	v21 =	vadd.f32 v22, v24  }
0x111: {  	v22 =	vld [tilespmem:s20+$0xA0F0];
	v16 =	vadd.f32 v10, v16;
	v18 =	vadd.f32 v12, v18  }
0x112: {  	v23 =	vld [tilespmem:s20+$0xA160];
	v24 =	vadd.f32 v13, v19;
	v26 =	vadd.f32 v17, v21  }
0x113: {  	v0 =	vadd.f32 v8, v0;
	v1 =	vadd.f32 v9, v1;
	v8 =	vld [tilespmem:s20+$0xA170]  }
0x114: {  	v2 =	vadd.f32 v15, v2;
	v4 =	vadd.f32 v25, v4;
	v9 =	vld [tilespmem:s20+$0xA1E0]  }
0x115: {  	v0 =	vadd.f32 v5, v0;
	v1 =	vadd.f32 v7, v1;
	v5 =	vld [tilespmem:s20+$0xA1F0];
	s20 =	sshra.s32 s21, $0x2  }
0x116: {  	v2 =	vadd.f32 v20, v2;
	v10 =	vld [tilespmem:s20+$0xA180];
	v4 =	vadd.f32 v22, v4  }
0x117: {  	v0 =	vadd.f32 v14, v0;
	v1 =	vadd.f32 v11, v1;
	v12 =	vld [tilespmem:s20+$0xA190]  }
0x118: {  	v2 =	vadd.f32 v23, v2;
	v13 =	vld [tilespmem:s20+$0xA1A0];
	v4 =	vadd.f32 v8, v4  }
0x119: {  	v0 =	vadd.f32 v3, v0;
	v1 =	vadd.f32 v6, v1;
	v17 =	vld [tilespmem:s20+$0xA1B0]  }
0x11a: {  	v2 =	vadd.f32 v9, v2;
	v3 =	vld [tilespmem:s20+$0xA1C0];
	v4 =	vadd.f32 v5, v4  }
0x11b: {  	v6 =	vld [tilespmem:s20+$0xA1D0]  }
0x11c: {  	v20 =	vld [tilespmem:s20+$0xA100]  }
0x11d: {  	v21 =	vld [tilespmem:s20+$0xA110]  }
0x11e: {  	v19 =	vld [tilespmem:s20+$0xA120]  }
0x11f: {  	v22 =	vld [tilespmem:s20+$0xA130]  }
0x120: {  	v14 =	vld [tilespmem:s20+$0xA140]  }
0x121: {  	v11 =	vld [tilespmem:s20+$0xA150]  }
0x122: {  	v15 =	vld [tilespmem:s20+$0xA080]  }
0x123: {  	v23 =	vld [tilespmem:s20+$0xA090]  }
0x124: {  	v7 =	vld [tilespmem:s20+$0xA000]  }
0x125: {  	v8 =	vld [tilespmem:s20+$0xA010]  }
0x126: {  	v9 =	vld [tilespmem:s20+$0xA020]  }
0x127: {  	v25 =	vld [tilespmem:s20+$0xA030]  }
0x128: {  	v27 =	vld [tilespmem:s20+$0xA0A0]  }
0x129: {  	v28 =	vld [tilespmem:s20+$0xA0B0]  }
.Ltmp5:
0x12a: {  	v5 =	vld [tilespmem:s20+$0xA0C0];
	(pc) =	sbr.rel @p1 .LBB2_12-.Ltmp5, $4  }
0x12b: {  	v16 =	vadd.f32 v7, v16;
	v18 =	vadd.f32 v8, v18;
	v7 =	vld [tilespmem:s20+$0xA0D0]  }
0x12c: {  	v24 =	vadd.f32 v9, v24;
	v25 =	vadd.f32 v25, v26;
	v8 =	vld [tilespmem:s20+$0xA040]  }
0x12d: {  	v16 =	vadd.f32 v15, v16;
	v18 =	vadd.f32 v23, v18;
	v9 =	vld [tilespmem:s20+$0xA050]  }
0x12e: {  	s21 =	sadd.s32 $0x800, s21;
	v23 =	vadd.f32 v27, v24;
	v15 =	vld [tilespmem:s20+$0xA060];
	v24 =	vadd.f32 v28, v25  }
0x12f: {  	v25 =	vld [tilespmem:s20+$0xA070];
	v16 =	vadd.f32 v20, v16;
	v18 =	vadd.f32 v21, v18  }
0x130: {  	v21 =	vld [tilespmem:s20+$0xA0E0];
	v23 =	vadd.f32 v19, v23;
	v22 =	vadd.f32 v22, v24  }
0x131: {  	v63 =	vld [tilespmem:s20+$0xA0F0];
	v20 =	vadd.f32 v10, v16;
	v19 =	vadd.f32 v12, v18  }
0x132: {  	v16 =	vld [tilespmem:s20+$0xA160];
	v0 =	vadd.f32 v8, v0;
	v12 =	vadd.f32 v13, v23  }
0x133: {  	v8 =	vld [tilespmem:s20+$0xA170];
	v10 =	vadd.f32 v17, v22;
	v1 =	vadd.f32 v9, v1  }
0x134: {  	v9 =	vld [tilespmem:s20+$0xA1E0];
	v2 =	vadd.f32 v15, v2;
	v4 =	vadd.f32 v25, v4  }
0x135: {  	v0 =	vadd.f32 v5, v0;
	v5 =	vld [tilespmem:s20+$0xA1F0];
	v1 =	vadd.f32 v7, v1  }
.Ltmp6:
0x136: {  	v2 =	vadd.f32 v21, v2;
	v4 =	vadd.f32 v63, v4;
	(pc) =	sbr.rel @p0 .LBB2_9-.Ltmp6, $4  }
0x137: {  	v0 =	vadd.f32 v14, v0;
	v1 =	vadd.f32 v11, v1  }
0x138: {  	v2 =	vadd.f32 v16, v2;
	v8 =	vadd.f32 v8, v4  }
0x139: {  	v7 =	vadd.f32 v3, v0;
	v4 =	vadd.f32 v6, v1  }
0x13a: {  	p1 =	por $0x0, $0x0;
	s20 =	smov.u32 s11;
	v1 =	vadd.f32 v9, v2;
	v0 =	vadd.f32 v5, v8  }
0x13b: {  	v2 =	vmul.f32 $7.812500000e-03, v20  }
0x13c: {  	v3 =	vmul.f32 $7.812500000e-03, v19  }
0x13d: {  	v60 =	vmul.f32 $7.812500000e-03, v12;
	[tilespmem:$0x14080] =	vst v2  }
0x13e: {  	v61 =	vmul.f32 $7.812500000e-03, v10;
	[tilespmem:$0x14090] =	vst v3  }
0x13f: {  	v62 =	vmul.f32 $7.812500000e-03, v7;
	[tilespmem:$0x140A0] =	vst v60  }
0x140: {  	v63 =	vmul.f32 $7.812500000e-03, v4;
	[tilespmem:$0x140B0] =	vst v61  }
0x141: {  	v1 =	vmul.f32 $7.812500000e-03, v1;
	[tilespmem:$0x140C0] =	vst v62  }
0x142: {  	s19 =	sadd.s32 $0x1, s19;
	v0 =	vmul.f32 $7.812500000e-03, v0;
	[tilespmem:$0x140D0] =	vst v63  }
0x143: {  	p0 =	sne.s32 s19, s13;
	[tilespmem:$0x140E0] =	vst v1  }
.Ltmp7:
0x144: {  	[tilespmem:$0x140F0] =	vst v0;
	(pc) =	sbr.rel @p0 .LBB2_1-.Ltmp7, $4  }
0x145: {  	[hbm4b:s12+s2] =	stream.linear.scatter [tilespmem:s17], [sflag:$0x3], $0x100, $0x38;
	[tilespmem:$0x14100] =	vst v63  }
0x146: {  	_ =	swait.ge [sflag:s18], $0x100  }
0x147: {  	[sflag:s18] =	ssyncset.done $0x0  }
0x148: {  	[sflag:s18] =	ssyncadd.s32 $0xFFFFFF00  }
0x149: {  	_ =	sfence.sel $0x180000  }
0x14a: {  	[bflag:$0x0] =	sbarrier.arrive $0xFFFF  }
0x14b: {  	p0 =	sne.s32 s1, $0x0;
	_ =	strace $0x90000047  }
0x14c: {  	s0 =	sadd.s32 @!p0 $0x100000, s0;
	[bflag:$0x2] =	sbarrier.arrive $0xFFFF  }
0x14d: {  	[sflag:s0] =	ssyncadd.tile.s32 @!p0 $0x1;
	_ =	shalt  }
.Lfunc_end2:
_tile_overlayer_lowered:
.L_overlay_start_2:
0x14e: {  	(tag) =	ssettag $0x2  }
0x14f: {  	s0 =	rddreg [dreg:$0x0];
	s2 =	stileid.u32  }
0x150: {  	s1 =	rddreg [dreg:$0x1];
	p0 =	sne.s32 s2, $0x0  }
0x151: {  	s3 =	rddreg [dreg:$0x2];
	[bflag:$0x3] =	sbarrier.arrive $0xFFFF;
	s2 =	simm.s32 @!p0 $0x1C03  }
0x152: {  	[timem:s3], [sflag:s2] =	dma.local @!p0 [hbm:s0], s1  }
0x153: {  	s0 =	simm.s32 @!p0 $0x3  }
0x154: {  	_ =	swait.ge @!p0 [sflag:s0], s1  }
0x155: {  	s1 =	ssub.s32 @!p0 $0x0, s1;
	[sflag:s0] =	ssyncset.done @!p0 $0x0  }
0x156: {  	[sflag:s0] =	ssyncadd.s32 @!p0 s1  }
0x157: {  	[bflag:$0x3] =	sbarrier.arrive $0xFFFF  }
0x158: {  	_ =	shalt  }

</sc_bundles>
